<compile_context>
chip_gen: v7x
topology: tpu7x:2x2x1
jax: 0.10.2.dev20260603
libtpu: 0.0.44.dev20260713+nightly
codegen_flags: <defaults>
</compile_context>

<pallas_src>
import functools

import jax
import jax.numpy as jnp
from jax import lax
from jax.experimental import pallas as pl
from jax.experimental.pallas import tpu as pltpu
from jax.experimental.pallas import tpu_sc as plsc

VOCAB = 8192
D = 8192
NC, NS = 2, 16
NW = NC * NS
BTOT = 16 * 256
BPW = BTOT // NW
K = 2
NCH = BPW // K
HALF = NCH // 2


def _gather_body(idx_hbm, tbl_hbm, out_hbm, idx_v, d0, d1, e0, e1, sp,
                 sgd0, sgd1, sod0, sod1, sgs0, sgs1, sos0, sos1):
    cid = lax.axis_index("c")
    sid = lax.axis_index("s")
    wid = sid * NC + cid
    base = wid * BPW
    pltpu.sync_copy(
        idx_hbm.at[pl.ds(wid // 2, 1),
                   pl.ds(pl.multiple_of((wid % 2) * BPW, BPW), BPW)],
        idx_v)
    dbufs = (d0, d1)
    ebufs = (e0, e1)
    sgd = (sgd0, sgd1)
    sod = (sod0, sod1)
    sgs = (sgs0, sgs1)
    sos = (sos0, sos1)

    def idx_at(c):
        return idx_v.at[0, pl.ds(c * K, K)]

    def start_g(c, b):
        pltpu.async_copy(tbl_hbm.at[idx_at(c)], dbufs[b], sgd[b])

    def wait_g(c, b):
        pltpu.make_async_copy(tbl_hbm.at[idx_at(c)], dbufs[b], sgd[b]).wait()

    def start_o(c, b):
        pltpu.async_copy(dbufs[b], out_hbm.at[pl.ds(base + c * K, K)], sod[b])

    def wait_o(c, b):
        pltpu.make_async_copy(
            dbufs[b], out_hbm.at[pl.ds(base + c * K, K)], sod[b]).wait()

    def start_spg(c, b):
        pltpu.async_copy(tbl_hbm.at[idx_at(c)], ebufs[b], sgs[b])

    def wait_spg(c, b):
        pltpu.make_async_copy(
            tbl_hbm.at[idx_at(c)], ebufs[b], sgs[b]).wait()

    def sync_x(b):
        pltpu.sync_copy(ebufs[b], sp.at[sid, b])

    def start_spo(c, b):
        pltpu.async_copy(
            sp.at[sid, b], out_hbm.at[pl.ds(base + c * K, K)], sos[b])

    def wait_spo(c, b):
        pltpu.make_async_copy(
            sp.at[sid, b], out_hbm.at[pl.ds(base + c * K, K)], sos[b]).wait()

    start_g(0, 0)
    start_g(1, 1)
    start_spg(HALF + 0, 0)
    start_spg(HALF + 1, 1)
    wait_g(0, 0)
    start_o(0, 0)
    wait_spg(HALF + 0, 0)
    sync_x(0)
    start_spo(HALF + 0, 0)
    start_spg(HALF + 2, 0)
    wait_o(0, 0)
    start_g(2, 0)
    wait_g(1, 1)
    start_o(1, 1)
    wait_spg(HALF + 1, 1)
    sync_x(1)
    start_spo(HALF + 1, 1)
    start_spg(HALF + 3, 1)

    def step(i, b):
        s = HALF + i
        wait_o(i - 1, 1 - b)
        start_g(i + 1, 1 - b)
        wait_g(i, b)
        start_o(i, b)
        wait_spo(s - 2, b)
        wait_spg(s, b)
        sync_x(b)
        start_spo(s, b)
        start_spg(s + 2, b)

    def pair_body(j, carry):
        i = 2 * j + 2
        step(i, 0)
        step(i + 1, 1)
        return carry

    lax.fori_loop(0, (HALF - 4) // 2, pair_body, 0)

    i = HALF - 2
    wait_o(i - 1, 1)
    start_g(i + 1, 1)
    wait_g(i, 0)
    start_o(i, 0)
    wait_spo(HALF + i - 2, 0)
    wait_spg(HALF + i, 0)
    sync_x(0)
    start_spo(HALF + i, 0)
    i = HALF - 1
    wait_o(i - 1, 0)
    wait_g(i, 1)
    start_o(i, 1)
    wait_spo(HALF + i - 2, 1)
    wait_spg(HALF + i, 1)
    sync_x(1)
    start_spo(HALF + i, 1)
    wait_o(HALF - 1, 1)
    wait_spo(NCH - 2, 0)
    wait_spo(NCH - 1, 1)


_sc_gather = functools.partial(
    pl.kernel,
    mesh=plsc.VectorSubcoreMesh(core_axis_name="c", subcore_axis_name="s"),
    out_type=jax.ShapeDtypeStruct((BTOT, D), jnp.float32),
    scratch_types=[
        pltpu.VMEM((1, BPW), jnp.int32),
        pltpu.VMEM((K, D), jnp.float32),
        pltpu.VMEM((K, D), jnp.float32),
        pltpu.VMEM((K, D), jnp.float32),
        pltpu.VMEM((K, D), jnp.float32),
        pltpu.VMEM_SHARED((NS, 2, K, D), jnp.float32),
        pltpu.SemaphoreType.DMA,
        pltpu.SemaphoreType.DMA,
        pltpu.SemaphoreType.DMA,
        pltpu.SemaphoreType.DMA,
        pltpu.SemaphoreType.DMA,
        pltpu.SemaphoreType.DMA,
        pltpu.SemaphoreType.DMA,
        pltpu.SemaphoreType.DMA,
    ],
)(_gather_body)


def kernel(x, embed_weight):
    B, L = x.shape
    if x.dtype != jnp.int32:
        x = x.astype(jnp.int32)
    out = _sc_gather(x, embed_weight)
    return out.reshape(B, L, D)

# --- scband reference (transcript-rebuilt; emitter-appended) ---
"""Pipeline reference for scband-simple-bigram-model-4964982194722 (READ-ONLY COPY).

The authoritative reference and input builder live on the scoring server;
editing this copy changes nothing except your own understanding.
"""

import jax, jax.numpy as jnp
import numpy as np

VOCAB = 8192
B, L = 16, 256

def setup_inputs(seed: int = 0) -> dict:
    key = jax.random.key(seed)
    k1, k2 = jax.random.split(key)
    x = jax.random.randint(k1, (B, L), 0, VOCAB, dtype=jnp.int64)
    # nn.Embedding default init: N(0, 1)
    embed_weight = jax.random.normal(k2, (VOCAB, VOCAB), dtype=jnp.float32)
    return {"x": x, "embed_weight": embed_weight}

def reference(x, embed_weight):
    # SimpleBigramModel.forward: self.embed(x) -> gather rows of the [vocab, vocab] table
    return jnp.take(embed_weight, x, axis=0)

if __name__ == "__main__":
    import jax
    _d = setup_inputs()
    print(jax.jit(kernel)(*tuple(_d.values())))

</pallas_src>

<mosaic_0001>
#map = affine_map<(d0, d1) -> (0, 0)>
module attributes {stable_mosaic.version = 14 : i64} {
  func.func @_gather_body(%arg0: i32, %arg1: i32, %arg2: memref<16x256xi32, #tpu.memory_space<hbm>>, %arg3: memref<8192x8192xf32, #tpu.memory_space<hbm>>, %arg4: memref<4096x8192xf32, #tpu.memory_space<hbm>>, %arg5: memref<1x128xi32, #tpu.memory_space<vmem>>, %arg6: memref<2x8192xf32, #tpu.memory_space<vmem>>, %arg7: memref<2x8192xf32, #tpu.memory_space<vmem>>, %arg8: memref<2x8192xf32, #tpu.memory_space<vmem>>, %arg9: memref<2x8192xf32, #tpu.memory_space<vmem>>, %arg10: memref<16x2x2x8192xf32, #tpu.memory_space<vmem_shared>>, %arg11: memref<!tpu.dma_semaphore, #tpu.memory_space<semaphore_mem>>, %arg12: memref<!tpu.dma_semaphore, #tpu.memory_space<semaphore_mem>>, %arg13: memref<!tpu.dma_semaphore, #tpu.memory_space<semaphore_mem>>, %arg14: memref<!tpu.dma_semaphore, #tpu.memory_space<semaphore_mem>>, %arg15: memref<!tpu.dma_semaphore, #tpu.memory_space<semaphore_mem>>, %arg16: memref<!tpu.dma_semaphore, #tpu.memory_space<semaphore_mem>>, %arg17: memref<!tpu.dma_semaphore, #tpu.memory_space<semaphore_mem>>, %arg18: memref<!tpu.dma_semaphore, #tpu.memory_space<semaphore_mem>>) attributes {dimension_semantics = [#tpu.dimension_semantics<core_parallel>, #tpu.dimension_semantics<subcore_parallel>], iteration_bounds = array<i64: 2, 16>, scalar_prefetch = 0 : i64, scratch_operands = 14 : i64, tpu.core_type = #tpu.core_type<sc_vector_subcore>, window_params = [{transform_indices = #map}, {transform_indices = #map}, {transform_indices = #map}]} {
    %mul3A = arith.constant 2 : i32
    %mul3A_0 = arith.muli %arg1, %mul3A : i32
    %add3A = arith.addi %mul3A_0, %arg0 : i32
    %mul3A_1 = arith.constant 128 : i32
    %mul3A_2 = arith.muli %add3A, %mul3A_1 : i32
    %jit3A = arith.constant 2 : i32
    %div3A = arith.divsi %add3A, %jit3A : i32
    %sign3A = arith.constant 0 : i32
    %sign3A_3 = arith.cmpi sgt, %add3A, %sign3A : i32
    %sign3A_4 = arith.extui %sign3A_3 : i1 to i32
    %sign3A_5 = arith.constant 0 : i32
    %sign3A_6 = arith.cmpi slt, %add3A, %sign3A_5 : i32
    %sign3A_7 = arith.extui %sign3A_6 : i1 to i32
    %sign3A_8 = arith.subi %sign3A_4, %sign3A_7 : i32
    %sign3A_9 = arith.constant 0 : i32
    %sign3A_10 = arith.cmpi sgt, %jit3A, %sign3A_9 : i32
    %sign3A_11 = arith.extui %sign3A_10 : i1 to i32
    %sign3A_12 = arith.constant 0 : i32
    %sign3A_13 = arith.cmpi slt, %jit3A, %sign3A_12 : i32
    %sign3A_14 = arith.extui %sign3A_13 : i1 to i32
    %sign3A_15 = arith.subi %sign3A_11, %sign3A_14 : i32
    %ne3A = arith.cmpi ne, %sign3A_8, %sign3A_15 : i32
    %rem3A = arith.remsi %add3A, %jit3A : i32
    %ne3A_16 = arith.constant 0 : i32
    %ne3A_17 = arith.cmpi ne, %rem3A, %ne3A_16 : i32
    %and3A = arith.andi %ne3A, %ne3A_17 : i1
    %sub3A = arith.constant 1 : i32
    %sub3A_18 = arith.subi %div3A, %sub3A : i32
    %select_n3A = arith.select %and3A, %sub3A_18, %div3A : i32
    %jit3A_19 = arith.constant 2 : i32
    %eq3A = arith.constant 0 : i32
    %eq3A_20 = arith.cmpi eq, %jit3A_19, %eq3A : i32
    %jit3A_21 = arith.constant 1 : i32
    %select_n3A_22 = arith.select %eq3A_20, %jit3A_21, %jit3A_19 : i32
    %rem3A_23 = arith.remsi %add3A, %select_n3A_22 : i32
    %ne3A_24 = arith.constant 0 : i32
    %ne3A_25 = arith.cmpi ne, %rem3A_23, %ne3A_24 : i32
    %lt3A = arith.constant 0 : i32
    %lt3A_26 = arith.cmpi slt, %rem3A_23, %lt3A : i32
    %lt3A_27 = arith.constant 0 : i32
    %lt3A_28 = arith.cmpi slt, %select_n3A_22, %lt3A_27 : i32
    %ne3A_29 = arith.xori %lt3A_26, %lt3A_28 : i1
    %and3A_30 = arith.andi %ne3A_29, %ne3A_25 : i1
    %add3A_31 = arith.addi %rem3A_23, %select_n3A_22 : i32
    %select_n3A_32 = arith.select %and3A_30, %add3A_31, %rem3A_23 : i32
    %mul3A_33 = arith.constant 128 : i32
    %mul3A_34 = arith.muli %select_n3A_32, %mul3A_33 : i32
    %multiple_of3A = tpu.assume_multiple %mul3A_34, 128 : i32
    "tpu.region"() ({
      %run_scoped3A_273 = tpu.sem_alloc : memref<!tpu.dma_semaphore, #tpu.memory_space<semaphore_mem>>
      %dma_start3A_274 = tpu.memref_slice %arg2[%select_n3A, %multiple_of3A] : memref<16x256xi32, #tpu.memory_space<hbm>> -> memref<1x128xi32, #tpu.memory_space<hbm>>
      %dma_start3A_275 = tpu.memref_slice %arg2[%select_n3A, %multiple_of3A] : memref<16x256xi32, #tpu.memory_space<hbm>> -> memref<1x128xi32, #tpu.memory_space<hbm>>
      tpu.enqueue_dma source(%dma_start3A_275 : memref<1x128xi32, #tpu.memory_space<hbm>>) target(%arg5 : memref<1x128xi32, #tpu.memory_space<vmem>>) target_semaphore(%run_scoped3A_273 : memref<!tpu.dma_semaphore, #tpu.memory_space<semaphore_mem>>)
      %dma_wait3A_276 = tpu.memref_slice %arg2[%select_n3A, %multiple_of3A] : memref<16x256xi32, #tpu.memory_space<hbm>> -> memref<1x128xi32, #tpu.memory_space<hbm>>
      %dma_wait3A_277 = tpu.memref_slice %arg2[%select_n3A, %multiple_of3A] : memref<16x256xi32, #tpu.memory_space<hbm>> -> memref<1x128xi32, #tpu.memory_space<hbm>>
      tpu.wait_dma2 semaphore(%run_scoped3A_273 : memref<!tpu.dma_semaphore, #tpu.memory_space<semaphore_mem>>) src(%dma_wait3A_277 : memref<1x128xi32, #tpu.memory_space<hbm>>) dst(%arg5 : memref<1x128xi32, #tpu.memory_space<vmem>>)
      tpu.yield
    }) : () -> ()
    %dma_start3A = arith.constant 0 : i32
    %dma_start3A_35 = arith.constant 0 : i32
    %dma_start3A_36 = tpu.memref_slice %arg5[%dma_start3A, %dma_start3A_35] : memref<1x128xi32, #tpu.memory_space<vmem>> -> memref<1x2xi32, #tpu.memory_space<vmem>>
    %dma_start3A_37 = tpu.memref_squeeze %dma_start3A_36 : memref<1x2xi32, #tpu.memory_space<vmem>> -> memref<2xi32, #tpu.memory_space<vmem>>
    %dma_start3A_38 = arith.constant 0 : i32
    %dma_start3A_39 = arith.constant 0 : i32
    %dma_start3A_40 = tpu.memref_slice %arg3[%dma_start3A_38, %dma_start3A_39] : memref<8192x8192xf32, #tpu.memory_space<hbm>> -> memref<8192x8192xf32, #tpu.memory_space<hbm>>
    tpu.enqueue_indirect_dma source(%dma_start3A_40 : memref<8192x8192xf32, #tpu.memory_space<hbm>>) target(%arg6 : memref<2x8192xf32, #tpu.memory_space<vmem>>) offsets(%dma_start3A_37 : memref<2xi32, #tpu.memory_space<vmem>>) semaphore(%arg11 : memref<!tpu.dma_semaphore, #tpu.memory_space<semaphore_mem>>)
    %dma_start3A_41 = arith.constant 0 : i32
    %dma_start3A_42 = arith.constant 2 : i32
    %dma_start3A_43 = tpu.memref_slice %arg5[%dma_start3A_41, %dma_start3A_42] : memref<1x128xi32, #tpu.memory_space<vmem>> -> memref<1x2xi32, #tpu.memory_space<vmem>>
    %dma_start3A_44 = tpu.memref_squeeze %dma_start3A_43 : memref<1x2xi32, #tpu.memory_space<vmem>> -> memref<2xi32, #tpu.memory_space<vmem>>
    %dma_start3A_45 = arith.constant 0 : i32
    %dma_start3A_46 = arith.constant 0 : i32
    %dma_start3A_47 = tpu.memref_slice %arg3[%dma_start3A_45, %dma_start3A_46] : memref<8192x8192xf32, #tpu.memory_space<hbm>> -> memref<8192x8192xf32, #tpu.memory_space<hbm>>
    tpu.enqueue_indirect_dma source(%dma_start3A_47 : memref<8192x8192xf32, #tpu.memory_space<hbm>>) target(%arg7 : memref<2x8192xf32, #tpu.memory_space<vmem>>) offsets(%dma_start3A_44 : memref<2xi32, #tpu.memory_space<vmem>>) semaphore(%arg12 : memref<!tpu.dma_semaphore, #tpu.memory_space<semaphore_mem>>)
    %dma_start3A_48 = arith.constant 0 : i32
    %dma_start3A_49 = arith.constant 64 : i32
    %dma_start3A_50 = tpu.memref_slice %arg5[%dma_start3A_48, %dma_start3A_49] : memref<1x128xi32, #tpu.memory_space<vmem>> -> memref<1x2xi32, #tpu.memory_space<vmem>>
    %dma_start3A_51 = tpu.memref_squeeze %dma_start3A_50 : memref<1x2xi32, #tpu.memory_space<vmem>> -> memref<2xi32, #tpu.memory_space<vmem>>
    %dma_start3A_52 = arith.constant 0 : i32
    %dma_start3A_53 = arith.constant 0 : i32
    %dma_start3A_54 = tpu.memref_slice %arg3[%dma_start3A_52, %dma_start3A_53] : memref<8192x8192xf32, #tpu.memory_space<hbm>> -> memref<8192x8192xf32, #tpu.memory_space<hbm>>
    tpu.enqueue_indirect_dma source(%dma_start3A_54 : memref<8192x8192xf32, #tpu.memory_space<hbm>>) target(%arg8 : memref<2x8192xf32, #tpu.memory_space<vmem>>) offsets(%dma_start3A_51 : memref<2xi32, #tpu.memory_space<vmem>>) semaphore(%arg15 : memref<!tpu.dma_semaphore, #tpu.memory_space<semaphore_mem>>)
    %dma_start3A_55 = arith.constant 0 : i32
    %dma_start3A_56 = arith.constant 66 : i32
    %dma_start3A_57 = tpu.memref_slice %arg5[%dma_start3A_55, %dma_start3A_56] : memref<1x128xi32, #tpu.memory_space<vmem>> -> memref<1x2xi32, #tpu.memory_space<vmem>>
    %dma_start3A_58 = tpu.memref_squeeze %dma_start3A_57 : memref<1x2xi32, #tpu.memory_space<vmem>> -> memref<2xi32, #tpu.memory_space<vmem>>
    %dma_start3A_59 = arith.constant 0 : i32
    %dma_start3A_60 = arith.constant 0 : i32
    %dma_start3A_61 = tpu.memref_slice %arg3[%dma_start3A_59, %dma_start3A_60] : memref<8192x8192xf32, #tpu.memory_space<hbm>> -> memref<8192x8192xf32, #tpu.memory_space<hbm>>
    tpu.enqueue_indirect_dma source(%dma_start3A_61 : memref<8192x8192xf32, #tpu.memory_space<hbm>>) target(%arg9 : memref<2x8192xf32, #tpu.memory_space<vmem>>) offsets(%dma_start3A_58 : memref<2xi32, #tpu.memory_space<vmem>>) semaphore(%arg16 : memref<!tpu.dma_semaphore, #tpu.memory_space<semaphore_mem>>)
    %dma_wait3A = arith.constant 0 : i32
    %dma_wait3A_62 = arith.constant 0 : i32
    %dma_wait3A_63 = tpu.memref_slice %arg5[%dma_wait3A, %dma_wait3A_62] : memref<1x128xi32, #tpu.memory_space<vmem>> -> memref<1x2xi32, #tpu.memory_space<vmem>>
    %dma_wait3A_64 = tpu.memref_squeeze %dma_wait3A_63 : memref<1x2xi32, #tpu.memory_space<vmem>> -> memref<2xi32, #tpu.memory_space<vmem>>
    %dma_wait3A_65 = arith.constant 0 : i32
    %dma_wait3A_66 = arith.constant 0 : i32
    %dma_wait3A_67 = tpu.memref_slice %arg3[%dma_wait3A_65, %dma_wait3A_66] : memref<8192x8192xf32, #tpu.memory_space<hbm>> -> memref<8192x8192xf32, #tpu.memory_space<hbm>>
    tpu.wait_indirect_dma semaphore(%arg11 : memref<!tpu.dma_semaphore, #tpu.memory_space<semaphore_mem>>) src(%dma_wait3A_67 : memref<8192x8192xf32, #tpu.memory_space<hbm>>) dst(%arg6 : memref<2x8192xf32, #tpu.memory_space<vmem>>)
    %add3A_68 = arith.constant 0 : i32
    %add3A_69 = arith.addi %mul3A_2, %add3A_68 : i32
    %dma_start3A_70 = arith.constant 0 : i32
    %dma_start3A_71 = tpu.memref_slice %arg4[%add3A_69, %dma_start3A_70] : memref<4096x8192xf32, #tpu.memory_space<hbm>> -> memref<2x8192xf32, #tpu.memory_space<hbm>>
    %dma_start3A_72 = arith.constant 0 : i32
    %dma_start3A_73 = tpu.memref_slice %arg4[%add3A_69, %dma_start3A_72] : memref<4096x8192xf32, #tpu.memory_space<hbm>> -> memref<2x8192xf32, #tpu.memory_space<hbm>>
    tpu.enqueue_dma source(%arg6 : memref<2x8192xf32, #tpu.memory_space<vmem>>) target(%dma_start3A_73 : memref<2x8192xf32, #tpu.memory_space<hbm>>) target_semaphore(%arg13 : memref<!tpu.dma_semaphore, #tpu.memory_space<semaphore_mem>>)
    %dma_wait3A_74 = arith.constant 0 : i32
    %dma_wait3A_75 = arith.constant 64 : i32
    %dma_wait3A_76 = tpu.memref_slice %arg5[%dma_wait3A_74, %dma_wait3A_75] : memref<1x128xi32, #tpu.memory_space<vmem>> -> memref<1x2xi32, #tpu.memory_space<vmem>>
    %dma_wait3A_77 = tpu.memref_squeeze %dma_wait3A_76 : memref<1x2xi32, #tpu.memory_space<vmem>> -> memref<2xi32, #tpu.memory_space<vmem>>
    %dma_wait3A_78 = arith.constant 0 : i32
    %dma_wait3A_79 = arith.constant 0 : i32
    %dma_wait3A_80 = tpu.memref_slice %arg3[%dma_wait3A_78, %dma_wait3A_79] : memref<8192x8192xf32, #tpu.memory_space<hbm>> -> memref<8192x8192xf32, #tpu.memory_space<hbm>>
    tpu.wait_indirect_dma semaphore(%arg15 : memref<!tpu.dma_semaphore, #tpu.memory_space<semaphore_mem>>) src(%dma_wait3A_80 : memref<8192x8192xf32, #tpu.memory_space<hbm>>) dst(%arg8 : memref<2x8192xf32, #tpu.memory_space<vmem>>)
    %run_scoped3A = arith.constant 0 : i32
    "tpu.region"() ({
      %run_scoped3A_273 = tpu.sem_alloc : memref<!tpu.dma_semaphore, #tpu.memory_space<semaphore_mem>>
      %dma_start3A_274 = arith.constant 0 : i32
      %dma_start3A_275 = arith.constant 0 : i32
      %dma_start3A_276 = tpu.memref_slice %arg10[%arg1, %run_scoped3A, %dma_start3A_274, %dma_start3A_275] : memref<16x2x2x8192xf32, #tpu.memory_space<vmem_shared>> -> memref<1x1x2x8192xf32, #tpu.memory_space<vmem_shared>>
      %dma_start3A_277 = tpu.memref_squeeze %dma_start3A_276 : memref<1x1x2x8192xf32, #tpu.memory_space<vmem_shared>> -> memref<2x8192xf32, #tpu.memory_space<vmem_shared>>
      %dma_start3A_278 = arith.constant 0 : i32
      %dma_start3A_279 = arith.constant 0 : i32
      %dma_start3A_280 = tpu.memref_slice %arg10[%arg1, %run_scoped3A, %dma_start3A_278, %dma_start3A_279] : memref<16x2x2x8192xf32, #tpu.memory_space<vmem_shared>> -> memref<1x1x2x8192xf32, #tpu.memory_space<vmem_shared>>
      %dma_start3A_281 = tpu.memref_squeeze %dma_start3A_280 : memref<1x1x2x8192xf32, #tpu.memory_space<vmem_shared>> -> memref<2x8192xf32, #tpu.memory_space<vmem_shared>>
      tpu.enqueue_dma source(%arg8 : memref<2x8192xf32, #tpu.memory_space<vmem>>) target(%dma_start3A_281 : memref<2x8192xf32, #tpu.memory_space<vmem_shared>>) target_semaphore(%run_scoped3A_273 : memref<!tpu.dma_semaphore, #tpu.memory_space<semaphore_mem>>)
      %dma_wait3A_282 = arith.constant 0 : i32
      %dma_wait3A_283 = arith.constant 0 : i32
      %dma_wait3A_284 = tpu.memref_slice %arg10[%arg1, %run_scoped3A, %dma_wait3A_282, %dma_wait3A_283] : memref<16x2x2x8192xf32, #tpu.memory_space<vmem_shared>> -> memref<1x1x2x8192xf32, #tpu.memory_space<vmem_shared>>
      %dma_wait3A_285 = tpu.memref_squeeze %dma_wait3A_284 : memref<1x1x2x8192xf32, #tpu.memory_space<vmem_shared>> -> memref<2x8192xf32, #tpu.memory_space<vmem_shared>>
      %dma_wait3A_286 = arith.constant 0 : i32
      %dma_wait3A_287 = arith.constant 0 : i32
      %dma_wait3A_288 = tpu.memref_slice %arg10[%arg1, %run_scoped3A, %dma_wait3A_286, %dma_wait3A_287] : memref<16x2x2x8192xf32, #tpu.memory_space<vmem_shared>> -> memref<1x1x2x8192xf32, #tpu.memory_space<vmem_shared>>
      %dma_wait3A_289 = tpu.memref_squeeze %dma_wait3A_288 : memref<1x1x2x8192xf32, #tpu.memory_space<vmem_shared>> -> memref<2x8192xf32, #tpu.memory_space<vmem_shared>>
      tpu.wait_dma2 semaphore(%run_scoped3A_273 : memref<!tpu.dma_semaphore, #tpu.memory_space<semaphore_mem>>) src(%arg8 : memref<2x8192xf32, #tpu.memory_space<vmem>>) dst(%dma_wait3A_289 : memref<2x8192xf32, #tpu.memory_space<vmem_shared>>)
      tpu.yield
    }) : () -> ()
    %add3A_81 = arith.constant 64 : i32
    %add3A_82 = arith.addi %mul3A_2, %add3A_81 : i32
    %dma_start3A_83 = arith.constant 0 : i32
    %dma_start3A_84 = arith.constant 0 : i32
    %dma_start3A_85 = tpu.memref_slice %arg4[%add3A_82, %dma_start3A_84] : memref<4096x8192xf32, #tpu.memory_space<hbm>> -> memref<2x8192xf32, #tpu.memory_space<hbm>>
    %dma_start3A_86 = arith.constant 0 : i32
    %dma_start3A_87 = arith.constant 0 : i32
    %dma_start3A_88 = tpu.memref_slice %arg10[%arg1, %dma_start3A_83, %dma_start3A_86, %dma_start3A_87] : memref<16x2x2x8192xf32, #tpu.memory_space<vmem_shared>> -> memref<1x1x2x8192xf32, #tpu.memory_space<vmem_shared>>
    %dma_start3A_89 = tpu.memref_squeeze %dma_start3A_88 : memref<1x1x2x8192xf32, #tpu.memory_space<vmem_shared>> -> memref<2x8192xf32, #tpu.memory_space<vmem_shared>>
    tpu.enqueue_dma source(%dma_start3A_89 : memref<2x8192xf32, #tpu.memory_space<vmem_shared>>) target(%dma_start3A_85 : memref<2x8192xf32, #tpu.memory_space<hbm>>) target_semaphore(%arg17 : memref<!tpu.dma_semaphore, #tpu.memory_space<semaphore_mem>>)
    %dma_start3A_90 = arith.constant 0 : i32
    %dma_start3A_91 = arith.constant 68 : i32
    %dma_start3A_92 = tpu.memref_slice %arg5[%dma_start3A_90, %dma_start3A_91] : memref<1x128xi32, #tpu.memory_space<vmem>> -> memref<1x2xi32, #tpu.memory_space<vmem>>
    %dma_start3A_93 = tpu.memref_squeeze %dma_start3A_92 : memref<1x2xi32, #tpu.memory_space<vmem>> -> memref<2xi32, #tpu.memory_space<vmem>>
    %dma_start3A_94 = arith.constant 0 : i32
    %dma_start3A_95 = arith.constant 0 : i32
    %dma_start3A_96 = tpu.memref_slice %arg3[%dma_start3A_94, %dma_start3A_95] : memref<8192x8192xf32, #tpu.memory_space<hbm>> -> memref<8192x8192xf32, #tpu.memory_space<hbm>>
    tpu.enqueue_indirect_dma source(%dma_start3A_96 : memref<8192x8192xf32, #tpu.memory_space<hbm>>) target(%arg8 : memref<2x8192xf32, #tpu.memory_space<vmem>>) offsets(%dma_start3A_93 : memref<2xi32, #tpu.memory_space<vmem>>) semaphore(%arg15 : memref<!tpu.dma_semaphore, #tpu.memory_space<semaphore_mem>>)
    %add3A_97 = arith.constant 0 : i32
    %add3A_98 = arith.addi %mul3A_2, %add3A_97 : i32
    %dma_wait3A_99 = arith.constant 0 : i32
    %dma_wait3A_100 = tpu.memref_slice %arg4[%add3A_98, %dma_wait3A_99] : memref<4096x8192xf32, #tpu.memory_space<hbm>> -> memref<2x8192xf32, #tpu.memory_space<hbm>>
    %dma_wait3A_101 = arith.constant 0 : i32
    %dma_wait3A_102 = tpu.memref_slice %arg4[%add3A_98, %dma_wait3A_101] : memref<4096x8192xf32, #tpu.memory_space<hbm>> -> memref<2x8192xf32, #tpu.memory_space<hbm>>
    tpu.wait_dma2 semaphore(%arg13 : memref<!tpu.dma_semaphore, #tpu.memory_space<semaphore_mem>>) src(%arg6 : memref<2x8192xf32, #tpu.memory_space<vmem>>) dst(%dma_wait3A_102 : memref<2x8192xf32, #tpu.memory_space<hbm>>)
    %dma_start3A_103 = arith.constant 0 : i32
    %dma_start3A_104 = arith.constant 4 : i32
    %dma_start3A_105 = tpu.memref_slice %arg5[%dma_start3A_103, %dma_start3A_104] : memref<1x128xi32, #tpu.memory_space<vmem>> -> memref<1x2xi32, #tpu.memory_space<vmem>>
    %dma_start3A_106 = tpu.memref_squeeze %dma_start3A_105 : memref<1x2xi32, #tpu.memory_space<vmem>> -> memref<2xi32, #tpu.memory_space<vmem>>
    %dma_start3A_107 = arith.constant 0 : i32
    %dma_start3A_108 = arith.constant 0 : i32
    %dma_start3A_109 = tpu.memref_slice %arg3[%dma_start3A_107, %dma_start3A_108] : memref<8192x8192xf32, #tpu.memory_space<hbm>> -> memref<8192x8192xf32, #tpu.memory_space<hbm>>
    tpu.enqueue_indirect_dma source(%dma_start3A_109 : memref<8192x8192xf32, #tpu.memory_space<hbm>>) target(%arg6 : memref<2x8192xf32, #tpu.memory_space<vmem>>) offsets(%dma_start3A_106 : memref<2xi32, #tpu.memory_space<vmem>>) semaphore(%arg11 : memref<!tpu.dma_semaphore, #tpu.memory_space<semaphore_mem>>)
    %dma_wait3A_110 = arith.constant 0 : i32
    %dma_wait3A_111 = arith.constant 2 : i32
    %dma_wait3A_112 = tpu.memref_slice %arg5[%dma_wait3A_110, %dma_wait3A_111] : memref<1x128xi32, #tpu.memory_space<vmem>> -> memref<1x2xi32, #tpu.memory_space<vmem>>
    %dma_wait3A_113 = tpu.memref_squeeze %dma_wait3A_112 : memref<1x2xi32, #tpu.memory_space<vmem>> -> memref<2xi32, #tpu.memory_space<vmem>>
    %dma_wait3A_114 = arith.constant 0 : i32
    %dma_wait3A_115 = arith.constant 0 : i32
    %dma_wait3A_116 = tpu.memref_slice %arg3[%dma_wait3A_114, %dma_wait3A_115] : memref<8192x8192xf32, #tpu.memory_space<hbm>> -> memref<8192x8192xf32, #tpu.memory_space<hbm>>
    tpu.wait_indirect_dma semaphore(%arg12 : memref<!tpu.dma_semaphore, #tpu.memory_space<semaphore_mem>>) src(%dma_wait3A_116 : memref<8192x8192xf32, #tpu.memory_space<hbm>>) dst(%arg7 : memref<2x8192xf32, #tpu.memory_space<vmem>>)
    %add3A_117 = arith.constant 2 : i32
    %add3A_118 = arith.addi %mul3A_2, %add3A_117 : i32
    %dma_start3A_119 = arith.constant 0 : i32
    %dma_start3A_120 = tpu.memref_slice %arg4[%add3A_118, %dma_start3A_119] : memref<4096x8192xf32, #tpu.memory_space<hbm>> -> memref<2x8192xf32, #tpu.memory_space<hbm>>
    %dma_start3A_121 = arith.constant 0 : i32
    %dma_start3A_122 = tpu.memref_slice %arg4[%add3A_118, %dma_start3A_121] : memref<4096x8192xf32, #tpu.memory_space<hbm>> -> memref<2x8192xf32, #tpu.memory_space<hbm>>
    tpu.enqueue_dma source(%arg7 : memref<2x8192xf32, #tpu.memory_space<vmem>>) target(%dma_start3A_122 : memref<2x8192xf32, #tpu.memory_space<hbm>>) target_semaphore(%arg14 : memref<!tpu.dma_semaphore, #tpu.memory_space<semaphore_mem>>)
    %dma_wait3A_123 = arith.constant 0 : i32
    %dma_wait3A_124 = arith.constant 66 : i32
    %dma_wait3A_125 = tpu.memref_slice %arg5[%dma_wait3A_123, %dma_wait3A_124] : memref<1x128xi32, #tpu.memory_space<vmem>> -> memref<1x2xi32, #tpu.memory_space<vmem>>
    %dma_wait3A_126 = tpu.memref_squeeze %dma_wait3A_125 : memref<1x2xi32, #tpu.memory_space<vmem>> -> memref<2xi32, #tpu.memory_space<vmem>>
    %dma_wait3A_127 = arith.constant 0 : i32
    %dma_wait3A_128 = arith.constant 0 : i32
    %dma_wait3A_129 = tpu.memref_slice %arg3[%dma_wait3A_127, %dma_wait3A_128] : memref<8192x8192xf32, #tpu.memory_space<hbm>> -> memref<8192x8192xf32, #tpu.memory_space<hbm>>
    tpu.wait_indirect_dma semaphore(%arg16 : memref<!tpu.dma_semaphore, #tpu.memory_space<semaphore_mem>>) src(%dma_wait3A_129 : memref<8192x8192xf32, #tpu.memory_space<hbm>>) dst(%arg9 : memref<2x8192xf32, #tpu.memory_space<vmem>>)
    %run_scoped3A_130 = arith.constant 1 : i32
    "tpu.region"() ({
      %run_scoped3A_273 = tpu.sem_alloc : memref<!tpu.dma_semaphore, #tpu.memory_space<semaphore_mem>>
      %dma_start3A_274 = arith.constant 0 : i32
      %dma_start3A_275 = arith.constant 0 : i32
      %dma_start3A_276 = tpu.memref_slice %arg10[%arg1, %run_scoped3A_130, %dma_start3A_274, %dma_start3A_275] : memref<16x2x2x8192xf32, #tpu.memory_space<vmem_shared>> -> memref<1x1x2x8192xf32, #tpu.memory_space<vmem_shared>>
      %dma_start3A_277 = tpu.memref_squeeze %dma_start3A_276 : memref<1x1x2x8192xf32, #tpu.memory_space<vmem_shared>> -> memref<2x8192xf32, #tpu.memory_space<vmem_shared>>
      %dma_start3A_278 = arith.constant 0 : i32
      %dma_start3A_279 = arith.constant 0 : i32
      %dma_start3A_280 = tpu.memref_slice %arg10[%arg1, %run_scoped3A_130, %dma_start3A_278, %dma_start3A_279] : memref<16x2x2x8192xf32, #tpu.memory_space<vmem_shared>> -> memref<1x1x2x8192xf32, #tpu.memory_space<vmem_shared>>
      %dma_start3A_281 = tpu.memref_squeeze %dma_start3A_280 : memref<1x1x2x8192xf32, #tpu.memory_space<vmem_shared>> -> memref<2x8192xf32, #tpu.memory_space<vmem_shared>>
      tpu.enqueue_dma source(%arg9 : memref<2x8192xf32, #tpu.memory_space<vmem>>) target(%dma_start3A_281 : memref<2x8192xf32, #tpu.memory_space<vmem_shared>>) target_semaphore(%run_scoped3A_273 : memref<!tpu.dma_semaphore, #tpu.memory_space<semaphore_mem>>)
      %dma_wait3A_282 = arith.constant 0 : i32
      %dma_wait3A_283 = arith.constant 0 : i32
      %dma_wait3A_284 = tpu.memref_slice %arg10[%arg1, %run_scoped3A_130, %dma_wait3A_282, %dma_wait3A_283] : memref<16x2x2x8192xf32, #tpu.memory_space<vmem_shared>> -> memref<1x1x2x8192xf32, #tpu.memory_space<vmem_shared>>
      %dma_wait3A_285 = tpu.memref_squeeze %dma_wait3A_284 : memref<1x1x2x8192xf32, #tpu.memory_space<vmem_shared>> -> memref<2x8192xf32, #tpu.memory_space<vmem_shared>>
      %dma_wait3A_286 = arith.constant 0 : i32
      %dma_wait3A_287 = arith.constant 0 : i32
      %dma_wait3A_288 = tpu.memref_slice %arg10[%arg1, %run_scoped3A_130, %dma_wait3A_286, %dma_wait3A_287] : memref<16x2x2x8192xf32, #tpu.memory_space<vmem_shared>> -> memref<1x1x2x8192xf32, #tpu.memory_space<vmem_shared>>
      %dma_wait3A_289 = tpu.memref_squeeze %dma_wait3A_288 : memref<1x1x2x8192xf32, #tpu.memory_space<vmem_shared>> -> memref<2x8192xf32, #tpu.memory_space<vmem_shared>>
      tpu.wait_dma2 semaphore(%run_scoped3A_273 : memref<!tpu.dma_semaphore, #tpu.memory_space<semaphore_mem>>) src(%arg9 : memref<2x8192xf32, #tpu.memory_space<vmem>>) dst(%dma_wait3A_289 : memref<2x8192xf32, #tpu.memory_space<vmem_shared>>)
      tpu.yield
    }) : () -> ()
    %add3A_131 = arith.constant 66 : i32
    %add3A_132 = arith.addi %mul3A_2, %add3A_131 : i32
    %dma_start3A_133 = arith.constant 1 : i32
    %dma_start3A_134 = arith.constant 0 : i32
    %dma_start3A_135 = tpu.memref_slice %arg4[%add3A_132, %dma_start3A_134] : memref<4096x8192xf32, #tpu.memory_space<hbm>> -> memref<2x8192xf32, #tpu.memory_space<hbm>>
    %dma_start3A_136 = arith.constant 0 : i32
    %dma_start3A_137 = arith.constant 0 : i32
    %dma_start3A_138 = tpu.memref_slice %arg10[%arg1, %dma_start3A_133, %dma_start3A_136, %dma_start3A_137] : memref<16x2x2x8192xf32, #tpu.memory_space<vmem_shared>> -> memref<1x1x2x8192xf32, #tpu.memory_space<vmem_shared>>
    %dma_start3A_139 = tpu.memref_squeeze %dma_start3A_138 : memref<1x1x2x8192xf32, #tpu.memory_space<vmem_shared>> -> memref<2x8192xf32, #tpu.memory_space<vmem_shared>>
    tpu.enqueue_dma source(%dma_start3A_139 : memref<2x8192xf32, #tpu.memory_space<vmem_shared>>) target(%dma_start3A_135 : memref<2x8192xf32, #tpu.memory_space<hbm>>) target_semaphore(%arg18 : memref<!tpu.dma_semaphore, #tpu.memory_space<semaphore_mem>>)
    %dma_start3A_140 = arith.constant 0 : i32
    %dma_start3A_141 = arith.constant 70 : i32
    %dma_start3A_142 = tpu.memref_slice %arg5[%dma_start3A_140, %dma_start3A_141] : memref<1x128xi32, #tpu.memory_space<vmem>> -> memref<1x2xi32, #tpu.memory_space<vmem>>
    %dma_start3A_143 = tpu.memref_squeeze %dma_start3A_142 : memref<1x2xi32, #tpu.memory_space<vmem>> -> memref<2xi32, #tpu.memory_space<vmem>>
    %dma_start3A_144 = arith.constant 0 : i32
    %dma_start3A_145 = arith.constant 0 : i32
    %dma_start3A_146 = tpu.memref_slice %arg3[%dma_start3A_144, %dma_start3A_145] : memref<8192x8192xf32, #tpu.memory_space<hbm>> -> memref<8192x8192xf32, #tpu.memory_space<hbm>>
    tpu.enqueue_indirect_dma source(%dma_start3A_146 : memref<8192x8192xf32, #tpu.memory_space<hbm>>) target(%arg9 : memref<2x8192xf32, #tpu.memory_space<vmem>>) offsets(%dma_start3A_143 : memref<2xi32, #tpu.memory_space<vmem>>) semaphore(%arg16 : memref<!tpu.dma_semaphore, #tpu.memory_space<semaphore_mem>>)
    %scan3A = arith.constant 0 : i32
    %scan3A_147 = arith.constant 0 : i32
    %scan3A_148 = arith.constant 14 : i32
    %scan3A_149 = arith.addi %scan3A_147, %scan3A_148 : i32
    %scan3A_150 = arith.constant 1 : i32
    scf.for %scan3A_273 = %scan3A_147 to %scan3A_149 step %scan3A_150  : i32 {
      %mul3A_274 = arith.constant 2 : i32
      %mul3A_275 = arith.muli %mul3A_274, %scan3A_273 : i32
      %add3A_276 = arith.constant 2 : i32
      %add3A_277 = arith.addi %mul3A_275, %add3A_276 : i32
      %add3A_278 = arith.constant 32 : i32
      %add3A_279 = arith.addi %add3A_278, %add3A_277 : i32
      %sub3A_280 = arith.constant 1 : i32
      %sub3A_281 = arith.subi %add3A_277, %sub3A_280 : i32
      %mul3A_282 = arith.constant 2 : i32
      %mul3A_283 = arith.muli %sub3A_281, %mul3A_282 : i32
      %add3A_284 = arith.addi %mul3A_2, %mul3A_283 : i32
      %dma_wait3A_285 = arith.constant 0 : i32
      %dma_wait3A_286 = tpu.memref_slice %arg4[%add3A_284, %dma_wait3A_285] : memref<4096x8192xf32, #tpu.memory_space<hbm>> -> memref<2x8192xf32, #tpu.memory_space<hbm>>
      %dma_wait3A_287 = arith.constant 0 : i32
      %dma_wait3A_288 = tpu.memref_slice %arg4[%add3A_284, %dma_wait3A_287] : memref<4096x8192xf32, #tpu.memory_space<hbm>> -> memref<2x8192xf32, #tpu.memory_space<hbm>>
      tpu.wait_dma2 semaphore(%arg14 : memref<!tpu.dma_semaphore, #tpu.memory_space<semaphore_mem>>) src(%arg7 : memref<2x8192xf32, #tpu.memory_space<vmem>>) dst(%dma_wait3A_288 : memref<2x8192xf32, #tpu.memory_space<hbm>>)
      %add3A_289 = arith.constant 1 : i32
      %add3A_290 = arith.addi %add3A_277, %add3A_289 : i32
      %mul3A_291 = arith.constant 2 : i32
      %mul3A_292 = arith.muli %add3A_290, %mul3A_291 : i32
      %dma_start3A_293 = arith.constant 0 : i32
      %dma_start3A_294 = tpu.memref_slice %arg5[%dma_start3A_293, %mul3A_292] : memref<1x128xi32, #tpu.memory_space<vmem>> -> memref<1x2xi32, #tpu.memory_space<vmem>>
      %dma_start3A_295 = tpu.memref_squeeze %dma_start3A_294 : memref<1x2xi32, #tpu.memory_space<vmem>> -> memref<2xi32, #tpu.memory_space<vmem>>
      %dma_start3A_296 = arith.constant 0 : i32
      %dma_start3A_297 = arith.constant 0 : i32
      %dma_start3A_298 = tpu.memref_slice %arg3[%dma_start3A_296, %dma_start3A_297] : memref<8192x8192xf32, #tpu.memory_space<hbm>> -> memref<8192x8192xf32, #tpu.memory_space<hbm>>
      tpu.enqueue_indirect_dma source(%dma_start3A_298 : memref<8192x8192xf32, #tpu.memory_space<hbm>>) target(%arg7 : memref<2x8192xf32, #tpu.memory_space<vmem>>) offsets(%dma_start3A_295 : memref<2xi32, #tpu.memory_space<vmem>>) semaphore(%arg12 : memref<!tpu.dma_semaphore, #tpu.memory_space<semaphore_mem>>)
      %mul3A_299 = arith.constant 2 : i32
      %mul3A_300 = arith.muli %add3A_277, %mul3A_299 : i32
      %dma_wait3A_301 = arith.constant 0 : i32
      %dma_wait3A_302 = tpu.memref_slice %arg5[%dma_wait3A_301, %mul3A_300] : memref<1x128xi32, #tpu.memory_space<vmem>> -> memref<1x2xi32, #tpu.memory_space<vmem>>
      %dma_wait3A_303 = tpu.memref_squeeze %dma_wait3A_302 : memref<1x2xi32, #tpu.memory_space<vmem>> -> memref<2xi32, #tpu.memory_space<vmem>>
      %dma_wait3A_304 = arith.constant 0 : i32
      %dma_wait3A_305 = arith.constant 0 : i32
      %dma_wait3A_306 = tpu.memref_slice %arg3[%dma_wait3A_304, %dma_wait3A_305] : memref<8192x8192xf32, #tpu.memory_space<hbm>> -> memref<8192x8192xf32, #tpu.memory_space<hbm>>
      tpu.wait_indirect_dma semaphore(%arg11 : memref<!tpu.dma_semaphore, #tpu.memory_space<semaphore_mem>>) src(%dma_wait3A_306 : memref<8192x8192xf32, #tpu.memory_space<hbm>>) dst(%arg6 : memref<2x8192xf32, #tpu.memory_space<vmem>>)
      %mul3A_307 = arith.constant 2 : i32
      %mul3A_308 = arith.muli %add3A_277, %mul3A_307 : i32
      %add3A_309 = arith.addi %mul3A_2, %mul3A_308 : i32
      %dma_start3A_310 = arith.constant 0 : i32
      %dma_start3A_311 = tpu.memref_slice %arg4[%add3A_309, %dma_start3A_310] : memref<4096x8192xf32, #tpu.memory_space<hbm>> -> memref<2x8192xf32, #tpu.memory_space<hbm>>
      %dma_start3A_312 = arith.constant 0 : i32
      %dma_start3A_313 = tpu.memref_slice %arg4[%add3A_309, %dma_start3A_312] : memref<4096x8192xf32, #tpu.memory_space<hbm>> -> memref<2x8192xf32, #tpu.memory_space<hbm>>
      tpu.enqueue_dma source(%arg6 : memref<2x8192xf32, #tpu.memory_space<vmem>>) target(%dma_start3A_313 : memref<2x8192xf32, #tpu.memory_space<hbm>>) target_semaphore(%arg13 : memref<!tpu.dma_semaphore, #tpu.memory_space<semaphore_mem>>)
      %sub3A_314 = arith.constant 2 : i32
      %sub3A_315 = arith.subi %add3A_279, %sub3A_314 : i32
      %mul3A_316 = arith.constant 2 : i32
      %mul3A_317 = arith.muli %sub3A_315, %mul3A_316 : i32
      %add3A_318 = arith.addi %mul3A_2, %mul3A_317 : i32
      %dma_wait3A_319 = arith.constant 0 : i32
      %dma_wait3A_320 = arith.constant 0 : i32
      %dma_wait3A_321 = tpu.memref_slice %arg4[%add3A_318, %dma_wait3A_320] : memref<4096x8192xf32, #tpu.memory_space<hbm>> -> memref<2x8192xf32, #tpu.memory_space<hbm>>
      %dma_wait3A_322 = arith.constant 0 : i32
      %dma_wait3A_323 = arith.constant 0 : i32
      %dma_wait3A_324 = tpu.memref_slice %arg10[%arg1, %dma_wait3A_319, %dma_wait3A_322, %dma_wait3A_323] : memref<16x2x2x8192xf32, #tpu.memory_space<vmem_shared>> -> memref<1x1x2x8192xf32, #tpu.memory_space<vmem_shared>>
      %dma_wait3A_325 = tpu.memref_squeeze %dma_wait3A_324 : memref<1x1x2x8192xf32, #tpu.memory_space<vmem_shared>> -> memref<2x8192xf32, #tpu.memory_space<vmem_shared>>
      tpu.wait_dma2 semaphore(%arg17 : memref<!tpu.dma_semaphore, #tpu.memory_space<semaphore_mem>>) src(%dma_wait3A_325 : memref<2x8192xf32, #tpu.memory_space<vmem_shared>>) dst(%dma_wait3A_321 : memref<2x8192xf32, #tpu.memory_space<hbm>>)
      %mul3A_326 = arith.constant 2 : i32
      %mul3A_327 = arith.muli %add3A_279, %mul3A_326 : i32
      %dma_wait3A_328 = arith.constant 0 : i32
      %dma_wait3A_329 = tpu.memref_slice %arg5[%dma_wait3A_328, %mul3A_327] : memref<1x128xi32, #tpu.memory_space<vmem>> -> memref<1x2xi32, #tpu.memory_space<vmem>>
      %dma_wait3A_330 = tpu.memref_squeeze %dma_wait3A_329 : memref<1x2xi32, #tpu.memory_space<vmem>> -> memref<2xi32, #tpu.memory_space<vmem>>
      %dma_wait3A_331 = arith.constant 0 : i32
      %dma_wait3A_332 = arith.constant 0 : i32
      %dma_wait3A_333 = tpu.memref_slice %arg3[%dma_wait3A_331, %dma_wait3A_332] : memref<8192x8192xf32, #tpu.memory_space<hbm>> -> memref<8192x8192xf32, #tpu.memory_space<hbm>>
      tpu.wait_indirect_dma semaphore(%arg15 : memref<!tpu.dma_semaphore, #tpu.memory_space<semaphore_mem>>) src(%dma_wait3A_333 : memref<8192x8192xf32, #tpu.memory_space<hbm>>) dst(%arg8 : memref<2x8192xf32, #tpu.memory_space<vmem>>)
      %run_scoped3A_334 = arith.constant 0 : i32
      "tpu.region"() ({
        %run_scoped3A_434 = tpu.sem_alloc : memref<!tpu.dma_semaphore, #tpu.memory_space<semaphore_mem>>
        %dma_start3A_435 = arith.constant 0 : i32
        %dma_start3A_436 = arith.constant 0 : i32
        %dma_start3A_437 = tpu.memref_slice %arg10[%arg1, %run_scoped3A_334, %dma_start3A_435, %dma_start3A_436] : memref<16x2x2x8192xf32, #tpu.memory_space<vmem_shared>> -> memref<1x1x2x8192xf32, #tpu.memory_space<vmem_shared>>
        %dma_start3A_438 = tpu.memref_squeeze %dma_start3A_437 : memref<1x1x2x8192xf32, #tpu.memory_space<vmem_shared>> -> memref<2x8192xf32, #tpu.memory_space<vmem_shared>>
        %dma_start3A_439 = arith.constant 0 : i32
        %dma_start3A_440 = arith.constant 0 : i32
        %dma_start3A_441 = tpu.memref_slice %arg10[%arg1, %run_scoped3A_334, %dma_start3A_439, %dma_start3A_440] : memref<16x2x2x8192xf32, #tpu.memory_space<vmem_shared>> -> memref<1x1x2x8192xf32, #tpu.memory_space<vmem_shared>>
        %dma_start3A_442 = tpu.memref_squeeze %dma_start3A_441 : memref<1x1x2x8192xf32, #tpu.memory_space<vmem_shared>> -> memref<2x8192xf32, #tpu.memory_space<vmem_shared>>
        tpu.enqueue_dma source(%arg8 : memref<2x8192xf32, #tpu.memory_space<vmem>>) target(%dma_start3A_442 : memref<2x8192xf32, #tpu.memory_space<vmem_shared>>) target_semaphore(%run_scoped3A_434 : memref<!tpu.dma_semaphore, #tpu.memory_space<semaphore_mem>>)
        %dma_wait3A_443 = arith.constant 0 : i32
        %dma_wait3A_444 = arith.constant 0 : i32
        %dma_wait3A_445 = tpu.memref_slice %arg10[%arg1, %run_scoped3A_334, %dma_wait3A_443, %dma_wait3A_444] : memref<16x2x2x8192xf32, #tpu.memory_space<vmem_shared>> -> memref<1x1x2x8192xf32, #tpu.memory_space<vmem_shared>>
        %dma_wait3A_446 = tpu.memref_squeeze %dma_wait3A_445 : memref<1x1x2x8192xf32, #tpu.memory_space<vmem_shared>> -> memref<2x8192xf32, #tpu.memory_space<vmem_shared>>
        %dma_wait3A_447 = arith.constant 0 : i32
        %dma_wait3A_448 = arith.constant 0 : i32
        %dma_wait3A_449 = tpu.memref_slice %arg10[%arg1, %run_scoped3A_334, %dma_wait3A_447, %dma_wait3A_448] : memref<16x2x2x8192xf32, #tpu.memory_space<vmem_shared>> -> memref<1x1x2x8192xf32, #tpu.memory_space<vmem_shared>>
        %dma_wait3A_450 = tpu.memref_squeeze %dma_wait3A_449 : memref<1x1x2x8192xf32, #tpu.memory_space<vmem_shared>> -> memref<2x8192xf32, #tpu.memory_space<vmem_shared>>
        tpu.wait_dma2 semaphore(%run_scoped3A_434 : memref<!tpu.dma_semaphore, #tpu.memory_space<semaphore_mem>>) src(%arg8 : memref<2x8192xf32, #tpu.memory_space<vmem>>) dst(%dma_wait3A_450 : memref<2x8192xf32, #tpu.memory_space<vmem_shared>>)
        tpu.yield
      }) : () -> ()
      %mul3A_335 = arith.constant 2 : i32
      %mul3A_336 = arith.muli %add3A_279, %mul3A_335 : i32
      %add3A_337 = arith.addi %mul3A_2, %mul3A_336 : i32
      %dma_start3A_338 = arith.constant 0 : i32
      %dma_start3A_339 = arith.constant 0 : i32
      %dma_start3A_340 = tpu.memref_slice %arg4[%add3A_337, %dma_start3A_339] : memref<4096x8192xf32, #tpu.memory_space<hbm>> -> memref<2x8192xf32, #tpu.memory_space<hbm>>
      %dma_start3A_341 = arith.constant 0 : i32
      %dma_start3A_342 = arith.constant 0 : i32
      %dma_start3A_343 = tpu.memref_slice %arg10[%arg1, %dma_start3A_338, %dma_start3A_341, %dma_start3A_342] : memref<16x2x2x8192xf32, #tpu.memory_space<vmem_shared>> -> memref<1x1x2x8192xf32, #tpu.memory_space<vmem_shared>>
      %dma_start3A_344 = tpu.memref_squeeze %dma_start3A_343 : memref<1x1x2x8192xf32, #tpu.memory_space<vmem_shared>> -> memref<2x8192xf32, #tpu.memory_space<vmem_shared>>
      tpu.enqueue_dma source(%dma_start3A_344 : memref<2x8192xf32, #tpu.memory_space<vmem_shared>>) target(%dma_start3A_340 : memref<2x8192xf32, #tpu.memory_space<hbm>>) target_semaphore(%arg17 : memref<!tpu.dma_semaphore, #tpu.memory_space<semaphore_mem>>)
      %add3A_345 = arith.constant 2 : i32
      %add3A_346 = arith.addi %add3A_279, %add3A_345 : i32
      %mul3A_347 = arith.constant 2 : i32
      %mul3A_348 = arith.muli %add3A_346, %mul3A_347 : i32
      %dma_start3A_349 = arith.constant 0 : i32
      %dma_start3A_350 = tpu.memref_slice %arg5[%dma_start3A_349, %mul3A_348] : memref<1x128xi32, #tpu.memory_space<vmem>> -> memref<1x2xi32, #tpu.memory_space<vmem>>
      %dma_start3A_351 = tpu.memref_squeeze %dma_start3A_350 : memref<1x2xi32, #tpu.memory_space<vmem>> -> memref<2xi32, #tpu.memory_space<vmem>>
      %dma_start3A_352 = arith.constant 0 : i32
      %dma_start3A_353 = arith.constant 0 : i32
      %dma_start3A_354 = tpu.memref_slice %arg3[%dma_start3A_352, %dma_start3A_353] : memref<8192x8192xf32, #tpu.memory_space<hbm>> -> memref<8192x8192xf32, #tpu.memory_space<hbm>>
      tpu.enqueue_indirect_dma source(%dma_start3A_354 : memref<8192x8192xf32, #tpu.memory_space<hbm>>) target(%arg8 : memref<2x8192xf32, #tpu.memory_space<vmem>>) offsets(%dma_start3A_351 : memref<2xi32, #tpu.memory_space<vmem>>) semaphore(%arg15 : memref<!tpu.dma_semaphore, #tpu.memory_space<semaphore_mem>>)
      %add3A_355 = arith.constant 1 : i32
      %add3A_356 = arith.addi %add3A_277, %add3A_355 : i32
      %add3A_357 = arith.constant 32 : i32
      %add3A_358 = arith.addi %add3A_357, %add3A_356 : i32
      %sub3A_359 = arith.constant 1 : i32
      %sub3A_360 = arith.subi %add3A_356, %sub3A_359 : i32
      %mul3A_361 = arith.constant 2 : i32
      %mul3A_362 = arith.muli %sub3A_360, %mul3A_361 : i32
      %add3A_363 = arith.addi %mul3A_2, %mul3A_362 : i32
      %dma_wait3A_364 = arith.constant 0 : i32
      %dma_wait3A_365 = tpu.memref_slice %arg4[%add3A_363, %dma_wait3A_364] : memref<4096x8192xf32, #tpu.memory_space<hbm>> -> memref<2x8192xf32, #tpu.memory_space<hbm>>
      %dma_wait3A_366 = arith.constant 0 : i32
      %dma_wait3A_367 = tpu.memref_slice %arg4[%add3A_363, %dma_wait3A_366] : memref<4096x8192xf32, #tpu.memory_space<hbm>> -> memref<2x8192xf32, #tpu.memory_space<hbm>>
      tpu.wait_dma2 semaphore(%arg13 : memref<!tpu.dma_semaphore, #tpu.memory_space<semaphore_mem>>) src(%arg6 : memref<2x8192xf32, #tpu.memory_space<vmem>>) dst(%dma_wait3A_367 : memref<2x8192xf32, #tpu.memory_space<hbm>>)
      %add3A_368 = arith.constant 1 : i32
      %add3A_369 = arith.addi %add3A_356, %add3A_368 : i32
      %mul3A_370 = arith.constant 2 : i32
      %mul3A_371 = arith.muli %add3A_369, %mul3A_370 : i32
      %dma_start3A_372 = arith.constant 0 : i32
      %dma_start3A_373 = tpu.memref_slice %arg5[%dma_start3A_372, %mul3A_371] : memref<1x128xi32, #tpu.memory_space<vmem>> -> memref<1x2xi32, #tpu.memory_space<vmem>>
      %dma_start3A_374 = tpu.memref_squeeze %dma_start3A_373 : memref<1x2xi32, #tpu.memory_space<vmem>> -> memref<2xi32, #tpu.memory_space<vmem>>
      %dma_start3A_375 = arith.constant 0 : i32
      %dma_start3A_376 = arith.constant 0 : i32
      %dma_start3A_377 = tpu.memref_slice %arg3[%dma_start3A_375, %dma_start3A_376] : memref<8192x8192xf32, #tpu.memory_space<hbm>> -> memref<8192x8192xf32, #tpu.memory_space<hbm>>
      tpu.enqueue_indirect_dma source(%dma_start3A_377 : memref<8192x8192xf32, #tpu.memory_space<hbm>>) target(%arg6 : memref<2x8192xf32, #tpu.memory_space<vmem>>) offsets(%dma_start3A_374 : memref<2xi32, #tpu.memory_space<vmem>>) semaphore(%arg11 : memref<!tpu.dma_semaphore, #tpu.memory_space<semaphore_mem>>)
      %mul3A_378 = arith.constant 2 : i32
      %mul3A_379 = arith.muli %add3A_356, %mul3A_378 : i32
      %dma_wait3A_380 = arith.constant 0 : i32
      %dma_wait3A_381 = tpu.memref_slice %arg5[%dma_wait3A_380, %mul3A_379] : memref<1x128xi32, #tpu.memory_space<vmem>> -> memref<1x2xi32, #tpu.memory_space<vmem>>
      %dma_wait3A_382 = tpu.memref_squeeze %dma_wait3A_381 : memref<1x2xi32, #tpu.memory_space<vmem>> -> memref<2xi32, #tpu.memory_space<vmem>>
      %dma_wait3A_383 = arith.constant 0 : i32
      %dma_wait3A_384 = arith.constant 0 : i32
      %dma_wait3A_385 = tpu.memref_slice %arg3[%dma_wait3A_383, %dma_wait3A_384] : memref<8192x8192xf32, #tpu.memory_space<hbm>> -> memref<8192x8192xf32, #tpu.memory_space<hbm>>
      tpu.wait_indirect_dma semaphore(%arg12 : memref<!tpu.dma_semaphore, #tpu.memory_space<semaphore_mem>>) src(%dma_wait3A_385 : memref<8192x8192xf32, #tpu.memory_space<hbm>>) dst(%arg7 : memref<2x8192xf32, #tpu.memory_space<vmem>>)
      %mul3A_386 = arith.constant 2 : i32
      %mul3A_387 = arith.muli %add3A_356, %mul3A_386 : i32
      %add3A_388 = arith.addi %mul3A_2, %mul3A_387 : i32
      %dma_start3A_389 = arith.constant 0 : i32
      %dma_start3A_390 = tpu.memref_slice %arg4[%add3A_388, %dma_start3A_389] : memref<4096x8192xf32, #tpu.memory_space<hbm>> -> memref<2x8192xf32, #tpu.memory_space<hbm>>
      %dma_start3A_391 = arith.constant 0 : i32
      %dma_start3A_392 = tpu.memref_slice %arg4[%add3A_388, %dma_start3A_391] : memref<4096x8192xf32, #tpu.memory_space<hbm>> -> memref<2x8192xf32, #tpu.memory_space<hbm>>
      tpu.enqueue_dma source(%arg7 : memref<2x8192xf32, #tpu.memory_space<vmem>>) target(%dma_start3A_392 : memref<2x8192xf32, #tpu.memory_space<hbm>>) target_semaphore(%arg14 : memref<!tpu.dma_semaphore, #tpu.memory_space<semaphore_mem>>)
      %sub3A_393 = arith.constant 2 : i32
      %sub3A_394 = arith.subi %add3A_358, %sub3A_393 : i32
      %mul3A_395 = arith.constant 2 : i32
      %mul3A_396 = arith.muli %sub3A_394, %mul3A_395 : i32
      %add3A_397 = arith.addi %mul3A_2, %mul3A_396 : i32
      %dma_wait3A_398 = arith.constant 1 : i32
      %dma_wait3A_399 = arith.constant 0 : i32
      %dma_wait3A_400 = tpu.memref_slice %arg4[%add3A_397, %dma_wait3A_399] : memref<4096x8192xf32, #tpu.memory_space<hbm>> -> memref<2x8192xf32, #tpu.memory_space<hbm>>
      %dma_wait3A_401 = arith.constant 0 : i32
      %dma_wait3A_402 = arith.constant 0 : i32
      %dma_wait3A_403 = tpu.memref_slice %arg10[%arg1, %dma_wait3A_398, %dma_wait3A_401, %dma_wait3A_402] : memref<16x2x2x8192xf32, #tpu.memory_space<vmem_shared>> -> memref<1x1x2x8192xf32, #tpu.memory_space<vmem_shared>>
      %dma_wait3A_404 = tpu.memref_squeeze %dma_wait3A_403 : memref<1x1x2x8192xf32, #tpu.memory_space<vmem_shared>> -> memref<2x8192xf32, #tpu.memory_space<vmem_shared>>
      tpu.wait_dma2 semaphore(%arg18 : memref<!tpu.dma_semaphore, #tpu.memory_space<semaphore_mem>>) src(%dma_wait3A_404 : memref<2x8192xf32, #tpu.memory_space<vmem_shared>>) dst(%dma_wait3A_400 : memref<2x8192xf32, #tpu.memory_space<hbm>>)
      %mul3A_405 = arith.constant 2 : i32
      %mul3A_406 = arith.muli %add3A_358, %mul3A_405 : i32
      %dma_wait3A_407 = arith.constant 0 : i32
      %dma_wait3A_408 = tpu.memref_slice %arg5[%dma_wait3A_407, %mul3A_406] : memref<1x128xi32, #tpu.memory_space<vmem>> -> memref<1x2xi32, #tpu.memory_space<vmem>>
      %dma_wait3A_409 = tpu.memref_squeeze %dma_wait3A_408 : memref<1x2xi32, #tpu.memory_space<vmem>> -> memref<2xi32, #tpu.memory_space<vmem>>
      %dma_wait3A_410 = arith.constant 0 : i32
      %dma_wait3A_411 = arith.constant 0 : i32
      %dma_wait3A_412 = tpu.memref_slice %arg3[%dma_wait3A_410, %dma_wait3A_411] : memref<8192x8192xf32, #tpu.memory_space<hbm>> -> memref<8192x8192xf32, #tpu.memory_space<hbm>>
      tpu.wait_indirect_dma semaphore(%arg16 : memref<!tpu.dma_semaphore, #tpu.memory_space<semaphore_mem>>) src(%dma_wait3A_412 : memref<8192x8192xf32, #tpu.memory_space<hbm>>) dst(%arg9 : memref<2x8192xf32, #tpu.memory_space<vmem>>)
      %run_scoped3A_413 = arith.constant 1 : i32
      "tpu.region"() ({
        %run_scoped3A_434 = tpu.sem_alloc : memref<!tpu.dma_semaphore, #tpu.memory_space<semaphore_mem>>
        %dma_start3A_435 = arith.constant 0 : i32
        %dma_start3A_436 = arith.constant 0 : i32
        %dma_start3A_437 = tpu.memref_slice %arg10[%arg1, %run_scoped3A_413, %dma_start3A_435, %dma_start3A_436] : memref<16x2x2x8192xf32, #tpu.memory_space<vmem_shared>> -> memref<1x1x2x8192xf32, #tpu.memory_space<vmem_shared>>
        %dma_start3A_438 = tpu.memref_squeeze %dma_start3A_437 : memref<1x1x2x8192xf32, #tpu.memory_space<vmem_shared>> -> memref<2x8192xf32, #tpu.memory_space<vmem_shared>>
        %dma_start3A_439 = arith.constant 0 : i32
        %dma_start3A_440 = arith.constant 0 : i32
        %dma_start3A_441 = tpu.memref_slice %arg10[%arg1, %run_scoped3A_413, %dma_start3A_439, %dma_start3A_440] : memref<16x2x2x8192xf32, #tpu.memory_space<vmem_shared>> -> memref<1x1x2x8192xf32, #tpu.memory_space<vmem_shared>>
        %dma_start3A_442 = tpu.memref_squeeze %dma_start3A_441 : memref<1x1x2x8192xf32, #tpu.memory_space<vmem_shared>> -> memref<2x8192xf32, #tpu.memory_space<vmem_shared>>
        tpu.enqueue_dma source(%arg9 : memref<2x8192xf32, #tpu.memory_space<vmem>>) target(%dma_start3A_442 : memref<2x8192xf32, #tpu.memory_space<vmem_shared>>) target_semaphore(%run_scoped3A_434 : memref<!tpu.dma_semaphore, #tpu.memory_space<semaphore_mem>>)
        %dma_wait3A_443 = arith.constant 0 : i32
        %dma_wait3A_444 = arith.constant 0 : i32
        %dma_wait3A_445 = tpu.memref_slice %arg10[%arg1, %run_scoped3A_413, %dma_wait3A_443, %dma_wait3A_444] : memref<16x2x2x8192xf32, #tpu.memory_space<vmem_shared>> -> memref<1x1x2x8192xf32, #tpu.memory_space<vmem_shared>>
        %dma_wait3A_446 = tpu.memref_squeeze %dma_wait3A_445 : memref<1x1x2x8192xf32, #tpu.memory_space<vmem_shared>> -> memref<2x8192xf32, #tpu.memory_space<vmem_shared>>
        %dma_wait3A_447 = arith.constant 0 : i32
        %dma_wait3A_448 = arith.constant 0 : i32
        %dma_wait3A_449 = tpu.memref_slice %arg10[%arg1, %run_scoped3A_413, %dma_wait3A_447, %dma_wait3A_448] : memref<16x2x2x8192xf32, #tpu.memory_space<vmem_shared>> -> memref<1x1x2x8192xf32, #tpu.memory_space<vmem_shared>>
        %dma_wait3A_450 = tpu.memref_squeeze %dma_wait3A_449 : memref<1x1x2x8192xf32, #tpu.memory_space<vmem_shared>> -> memref<2x8192xf32, #tpu.memory_space<vmem_shared>>
        tpu.wait_dma2 semaphore(%run_scoped3A_434 : memref<!tpu.dma_semaphore, #tpu.memory_space<semaphore_mem>>) src(%arg9 : memref<2x8192xf32, #tpu.memory_space<vmem>>) dst(%dma_wait3A_450 : memref<2x8192xf32, #tpu.memory_space<vmem_shared>>)
        tpu.yield
      }) : () -> ()
      %mul3A_414 = arith.constant 2 : i32
      %mul3A_415 = arith.muli %add3A_358, %mul3A_414 : i32
      %add3A_416 = arith.addi %mul3A_2, %mul3A_415 : i32
      %dma_start3A_417 = arith.constant 1 : i32
      %dma_start3A_418 = arith.constant 0 : i32
      %dma_start3A_419 = tpu.memref_slice %arg4[%add3A_416, %dma_start3A_418] : memref<4096x8192xf32, #tpu.memory_space<hbm>> -> memref<2x8192xf32, #tpu.memory_space<hbm>>
      %dma_start3A_420 = arith.constant 0 : i32
      %dma_start3A_421 = arith.constant 0 : i32
      %dma_start3A_422 = tpu.memref_slice %arg10[%arg1, %dma_start3A_417, %dma_start3A_420, %dma_start3A_421] : memref<16x2x2x8192xf32, #tpu.memory_space<vmem_shared>> -> memref<1x1x2x8192xf32, #tpu.memory_space<vmem_shared>>
      %dma_start3A_423 = tpu.memref_squeeze %dma_start3A_422 : memref<1x1x2x8192xf32, #tpu.memory_space<vmem_shared>> -> memref<2x8192xf32, #tpu.memory_space<vmem_shared>>
      tpu.enqueue_dma source(%dma_start3A_423 : memref<2x8192xf32, #tpu.memory_space<vmem_shared>>) target(%dma_start3A_419 : memref<2x8192xf32, #tpu.memory_space<hbm>>) target_semaphore(%arg18 : memref<!tpu.dma_semaphore, #tpu.memory_space<semaphore_mem>>)
      %add3A_424 = arith.constant 2 : i32
      %add3A_425 = arith.addi %add3A_358, %add3A_424 : i32
      %mul3A_426 = arith.constant 2 : i32
      %mul3A_427 = arith.muli %add3A_425, %mul3A_426 : i32
      %dma_start3A_428 = arith.constant 0 : i32
      %dma_start3A_429 = tpu.memref_slice %arg5[%dma_start3A_428, %mul3A_427] : memref<1x128xi32, #tpu.memory_space<vmem>> -> memref<1x2xi32, #tpu.memory_space<vmem>>
      %dma_start3A_430 = tpu.memref_squeeze %dma_start3A_429 : memref<1x2xi32, #tpu.memory_space<vmem>> -> memref<2xi32, #tpu.memory_space<vmem>>
      %dma_start3A_431 = arith.constant 0 : i32
      %dma_start3A_432 = arith.constant 0 : i32
      %dma_start3A_433 = tpu.memref_slice %arg3[%dma_start3A_431, %dma_start3A_432] : memref<8192x8192xf32, #tpu.memory_space<hbm>> -> memref<8192x8192xf32, #tpu.memory_space<hbm>>
      tpu.enqueue_indirect_dma source(%dma_start3A_433 : memref<8192x8192xf32, #tpu.memory_space<hbm>>) target(%arg9 : memref<2x8192xf32, #tpu.memory_space<vmem>>) offsets(%dma_start3A_430 : memref<2xi32, #tpu.memory_space<vmem>>) semaphore(%arg16 : memref<!tpu.dma_semaphore, #tpu.memory_space<semaphore_mem>>)
    }
    %scan3A_151 = arith.constant 14 : i32
    %add3A_152 = arith.constant 58 : i32
    %add3A_153 = arith.addi %mul3A_2, %add3A_152 : i32
    %dma_wait3A_154 = arith.constant 0 : i32
    %dma_wait3A_155 = tpu.memref_slice %arg4[%add3A_153, %dma_wait3A_154] : memref<4096x8192xf32, #tpu.memory_space<hbm>> -> memref<2x8192xf32, #tpu.memory_space<hbm>>
    %dma_wait3A_156 = arith.constant 0 : i32
    %dma_wait3A_157 = tpu.memref_slice %arg4[%add3A_153, %dma_wait3A_156] : memref<4096x8192xf32, #tpu.memory_space<hbm>> -> memref<2x8192xf32, #tpu.memory_space<hbm>>
    tpu.wait_dma2 semaphore(%arg14 : memref<!tpu.dma_semaphore, #tpu.memory_space<semaphore_mem>>) src(%arg7 : memref<2x8192xf32, #tpu.memory_space<vmem>>) dst(%dma_wait3A_157 : memref<2x8192xf32, #tpu.memory_space<hbm>>)
    %dma_start3A_158 = arith.constant 0 : i32
    %dma_start3A_159 = arith.constant 62 : i32
    %dma_start3A_160 = tpu.memref_slice %arg5[%dma_start3A_158, %dma_start3A_159] : memref<1x128xi32, #tpu.memory_space<vmem>> -> memref<1x2xi32, #tpu.memory_space<vmem>>
    %dma_start3A_161 = tpu.memref_squeeze %dma_start3A_160 : memref<1x2xi32, #tpu.memory_space<vmem>> -> memref<2xi32, #tpu.memory_space<vmem>>
    %dma_start3A_162 = arith.constant 0 : i32
    %dma_start3A_163 = arith.constant 0 : i32
    %dma_start3A_164 = tpu.memref_slice %arg3[%dma_start3A_162, %dma_start3A_163] : memref<8192x8192xf32, #tpu.memory_space<hbm>> -> memref<8192x8192xf32, #tpu.memory_space<hbm>>
    tpu.enqueue_indirect_dma source(%dma_start3A_164 : memref<8192x8192xf32, #tpu.memory_space<hbm>>) target(%arg7 : memref<2x8192xf32, #tpu.memory_space<vmem>>) offsets(%dma_start3A_161 : memref<2xi32, #tpu.memory_space<vmem>>) semaphore(%arg12 : memref<!tpu.dma_semaphore, #tpu.memory_space<semaphore_mem>>)
    %dma_wait3A_165 = arith.constant 0 : i32
    %dma_wait3A_166 = arith.constant 60 : i32
    %dma_wait3A_167 = tpu.memref_slice %arg5[%dma_wait3A_165, %dma_wait3A_166] : memref<1x128xi32, #tpu.memory_space<vmem>> -> memref<1x2xi32, #tpu.memory_space<vmem>>
    %dma_wait3A_168 = tpu.memref_squeeze %dma_wait3A_167 : memref<1x2xi32, #tpu.memory_space<vmem>> -> memref<2xi32, #tpu.memory_space<vmem>>
    %dma_wait3A_169 = arith.constant 0 : i32
    %dma_wait3A_170 = arith.constant 0 : i32
    %dma_wait3A_171 = tpu.memref_slice %arg3[%dma_wait3A_169, %dma_wait3A_170] : memref<8192x8192xf32, #tpu.memory_space<hbm>> -> memref<8192x8192xf32, #tpu.memory_space<hbm>>
    tpu.wait_indirect_dma semaphore(%arg11 : memref<!tpu.dma_semaphore, #tpu.memory_space<semaphore_mem>>) src(%dma_wait3A_171 : memref<8192x8192xf32, #tpu.memory_space<hbm>>) dst(%arg6 : memref<2x8192xf32, #tpu.memory_space<vmem>>)
    %add3A_172 = arith.constant 60 : i32
    %add3A_173 = arith.addi %mul3A_2, %add3A_172 : i32
    %dma_start3A_174 = arith.constant 0 : i32
    %dma_start3A_175 = tpu.memref_slice %arg4[%add3A_173, %dma_start3A_174] : memref<4096x8192xf32, #tpu.memory_space<hbm>> -> memref<2x8192xf32, #tpu.memory_space<hbm>>
    %dma_start3A_176 = arith.constant 0 : i32
    %dma_start3A_177 = tpu.memref_slice %arg4[%add3A_173, %dma_start3A_176] : memref<4096x8192xf32, #tpu.memory_space<hbm>> -> memref<2x8192xf32, #tpu.memory_space<hbm>>
    tpu.enqueue_dma source(%arg6 : memref<2x8192xf32, #tpu.memory_space<vmem>>) target(%dma_start3A_177 : memref<2x8192xf32, #tpu.memory_space<hbm>>) target_semaphore(%arg13 : memref<!tpu.dma_semaphore, #tpu.memory_space<semaphore_mem>>)
    %add3A_178 = arith.constant 120 : i32
    %add3A_179 = arith.addi %mul3A_2, %add3A_178 : i32
    %dma_wait3A_180 = arith.constant 0 : i32
    %dma_wait3A_181 = arith.constant 0 : i32
    %dma_wait3A_182 = tpu.memref_slice %arg4[%add3A_179, %dma_wait3A_181] : memref<4096x8192xf32, #tpu.memory_space<hbm>> -> memref<2x8192xf32, #tpu.memory_space<hbm>>
    %dma_wait3A_183 = arith.constant 0 : i32
    %dma_wait3A_184 = arith.constant 0 : i32
    %dma_wait3A_185 = tpu.memref_slice %arg10[%arg1, %dma_wait3A_180, %dma_wait3A_183, %dma_wait3A_184] : memref<16x2x2x8192xf32, #tpu.memory_space<vmem_shared>> -> memref<1x1x2x8192xf32, #tpu.memory_space<vmem_shared>>
    %dma_wait3A_186 = tpu.memref_squeeze %dma_wait3A_185 : memref<1x1x2x8192xf32, #tpu.memory_space<vmem_shared>> -> memref<2x8192xf32, #tpu.memory_space<vmem_shared>>
    tpu.wait_dma2 semaphore(%arg17 : memref<!tpu.dma_semaphore, #tpu.memory_space<semaphore_mem>>) src(%dma_wait3A_186 : memref<2x8192xf32, #tpu.memory_space<vmem_shared>>) dst(%dma_wait3A_182 : memref<2x8192xf32, #tpu.memory_space<hbm>>)
    %dma_wait3A_187 = arith.constant 0 : i32
    %dma_wait3A_188 = arith.constant 124 : i32
    %dma_wait3A_189 = tpu.memref_slice %arg5[%dma_wait3A_187, %dma_wait3A_188] : memref<1x128xi32, #tpu.memory_space<vmem>> -> memref<1x2xi32, #tpu.memory_space<vmem>>
    %dma_wait3A_190 = tpu.memref_squeeze %dma_wait3A_189 : memref<1x2xi32, #tpu.memory_space<vmem>> -> memref<2xi32, #tpu.memory_space<vmem>>
    %dma_wait3A_191 = arith.constant 0 : i32
    %dma_wait3A_192 = arith.constant 0 : i32
    %dma_wait3A_193 = tpu.memref_slice %arg3[%dma_wait3A_191, %dma_wait3A_192] : memref<8192x8192xf32, #tpu.memory_space<hbm>> -> memref<8192x8192xf32, #tpu.memory_space<hbm>>
    tpu.wait_indirect_dma semaphore(%arg15 : memref<!tpu.dma_semaphore, #tpu.memory_space<semaphore_mem>>) src(%dma_wait3A_193 : memref<8192x8192xf32, #tpu.memory_space<hbm>>) dst(%arg8 : memref<2x8192xf32, #tpu.memory_space<vmem>>)
    %run_scoped3A_194 = arith.constant 0 : i32
    "tpu.region"() ({
      %run_scoped3A_273 = tpu.sem_alloc : memref<!tpu.dma_semaphore, #tpu.memory_space<semaphore_mem>>
      %dma_start3A_274 = arith.constant 0 : i32
      %dma_start3A_275 = arith.constant 0 : i32
      %dma_start3A_276 = tpu.memref_slice %arg10[%arg1, %run_scoped3A_194, %dma_start3A_274, %dma_start3A_275] : memref<16x2x2x8192xf32, #tpu.memory_space<vmem_shared>> -> memref<1x1x2x8192xf32, #tpu.memory_space<vmem_shared>>
      %dma_start3A_277 = tpu.memref_squeeze %dma_start3A_276 : memref<1x1x2x8192xf32, #tpu.memory_space<vmem_shared>> -> memref<2x8192xf32, #tpu.memory_space<vmem_shared>>
      %dma_start3A_278 = arith.constant 0 : i32
      %dma_start3A_279 = arith.constant 0 : i32
      %dma_start3A_280 = tpu.memref_slice %arg10[%arg1, %run_scoped3A_194, %dma_start3A_278, %dma_start3A_279] : memref<16x2x2x8192xf32, #tpu.memory_space<vmem_shared>> -> memref<1x1x2x8192xf32, #tpu.memory_space<vmem_shared>>
      %dma_start3A_281 = tpu.memref_squeeze %dma_start3A_280 : memref<1x1x2x8192xf32, #tpu.memory_space<vmem_shared>> -> memref<2x8192xf32, #tpu.memory_space<vmem_shared>>
      tpu.enqueue_dma source(%arg8 : memref<2x8192xf32, #tpu.memory_space<vmem>>) target(%dma_start3A_281 : memref<2x8192xf32, #tpu.memory_space<vmem_shared>>) target_semaphore(%run_scoped3A_273 : memref<!tpu.dma_semaphore, #tpu.memory_space<semaphore_mem>>)
      %dma_wait3A_282 = arith.constant 0 : i32
      %dma_wait3A_283 = arith.constant 0 : i32
      %dma_wait3A_284 = tpu.memref_slice %arg10[%arg1, %run_scoped3A_194, %dma_wait3A_282, %dma_wait3A_283] : memref<16x2x2x8192xf32, #tpu.memory_space<vmem_shared>> -> memref<1x1x2x8192xf32, #tpu.memory_space<vmem_shared>>
      %dma_wait3A_285 = tpu.memref_squeeze %dma_wait3A_284 : memref<1x1x2x8192xf32, #tpu.memory_space<vmem_shared>> -> memref<2x8192xf32, #tpu.memory_space<vmem_shared>>
      %dma_wait3A_286 = arith.constant 0 : i32
      %dma_wait3A_287 = arith.constant 0 : i32
      %dma_wait3A_288 = tpu.memref_slice %arg10[%arg1, %run_scoped3A_194, %dma_wait3A_286, %dma_wait3A_287] : memref<16x2x2x8192xf32, #tpu.memory_space<vmem_shared>> -> memref<1x1x2x8192xf32, #tpu.memory_space<vmem_shared>>
      %dma_wait3A_289 = tpu.memref_squeeze %dma_wait3A_288 : memref<1x1x2x8192xf32, #tpu.memory_space<vmem_shared>> -> memref<2x8192xf32, #tpu.memory_space<vmem_shared>>
      tpu.wait_dma2 semaphore(%run_scoped3A_273 : memref<!tpu.dma_semaphore, #tpu.memory_space<semaphore_mem>>) src(%arg8 : memref<2x8192xf32, #tpu.memory_space<vmem>>) dst(%dma_wait3A_289 : memref<2x8192xf32, #tpu.memory_space<vmem_shared>>)
      tpu.yield
    }) : () -> ()
    %add3A_195 = arith.constant 124 : i32
    %add3A_196 = arith.addi %mul3A_2, %add3A_195 : i32
    %dma_start3A_197 = arith.constant 0 : i32
    %dma_start3A_198 = arith.constant 0 : i32
    %dma_start3A_199 = tpu.memref_slice %arg4[%add3A_196, %dma_start3A_198] : memref<4096x8192xf32, #tpu.memory_space<hbm>> -> memref<2x8192xf32, #tpu.memory_space<hbm>>
    %dma_start3A_200 = arith.constant 0 : i32
    %dma_start3A_201 = arith.constant 0 : i32
    %dma_start3A_202 = tpu.memref_slice %arg10[%arg1, %dma_start3A_197, %dma_start3A_200, %dma_start3A_201] : memref<16x2x2x8192xf32, #tpu.memory_space<vmem_shared>> -> memref<1x1x2x8192xf32, #tpu.memory_space<vmem_shared>>
    %dma_start3A_203 = tpu.memref_squeeze %dma_start3A_202 : memref<1x1x2x8192xf32, #tpu.memory_space<vmem_shared>> -> memref<2x8192xf32, #tpu.memory_space<vmem_shared>>
    tpu.enqueue_dma source(%dma_start3A_203 : memref<2x8192xf32, #tpu.memory_space<vmem_shared>>) target(%dma_start3A_199 : memref<2x8192xf32, #tpu.memory_space<hbm>>) target_semaphore(%arg17 : memref<!tpu.dma_semaphore, #tpu.memory_space<semaphore_mem>>)
    %add3A_204 = arith.constant 60 : i32
    %add3A_205 = arith.addi %mul3A_2, %add3A_204 : i32
    %dma_wait3A_206 = arith.constant 0 : i32
    %dma_wait3A_207 = tpu.memref_slice %arg4[%add3A_205, %dma_wait3A_206] : memref<4096x8192xf32, #tpu.memory_space<hbm>> -> memref<2x8192xf32, #tpu.memory_space<hbm>>
    %dma_wait3A_208 = arith.constant 0 : i32
    %dma_wait3A_209 = tpu.memref_slice %arg4[%add3A_205, %dma_wait3A_208] : memref<4096x8192xf32, #tpu.memory_space<hbm>> -> memref<2x8192xf32, #tpu.memory_space<hbm>>
    tpu.wait_dma2 semaphore(%arg13 : memref<!tpu.dma_semaphore, #tpu.memory_space<semaphore_mem>>) src(%arg6 : memref<2x8192xf32, #tpu.memory_space<vmem>>) dst(%dma_wait3A_209 : memref<2x8192xf32, #tpu.memory_space<hbm>>)
    %dma_wait3A_210 = arith.constant 0 : i32
    %dma_wait3A_211 = arith.constant 62 : i32
    %dma_wait3A_212 = tpu.memref_slice %arg5[%dma_wait3A_210, %dma_wait3A_211] : memref<1x128xi32, #tpu.memory_space<vmem>> -> memref<1x2xi32, #tpu.memory_space<vmem>>
    %dma_wait3A_213 = tpu.memref_squeeze %dma_wait3A_212 : memref<1x2xi32, #tpu.memory_space<vmem>> -> memref<2xi32, #tpu.memory_space<vmem>>
    %dma_wait3A_214 = arith.constant 0 : i32
    %dma_wait3A_215 = arith.constant 0 : i32
    %dma_wait3A_216 = tpu.memref_slice %arg3[%dma_wait3A_214, %dma_wait3A_215] : memref<8192x8192xf32, #tpu.memory_space<hbm>> -> memref<8192x8192xf32, #tpu.memory_space<hbm>>
    tpu.wait_indirect_dma semaphore(%arg12 : memref<!tpu.dma_semaphore, #tpu.memory_space<semaphore_mem>>) src(%dma_wait3A_216 : memref<8192x8192xf32, #tpu.memory_space<hbm>>) dst(%arg7 : memref<2x8192xf32, #tpu.memory_space<vmem>>)
    %add3A_217 = arith.constant 62 : i32
    %add3A_218 = arith.addi %mul3A_2, %add3A_217 : i32
    %dma_start3A_219 = arith.constant 0 : i32
    %dma_start3A_220 = tpu.memref_slice %arg4[%add3A_218, %dma_start3A_219] : memref<4096x8192xf32, #tpu.memory_space<hbm>> -> memref<2x8192xf32, #tpu.memory_space<hbm>>
    %dma_start3A_221 = arith.constant 0 : i32
    %dma_start3A_222 = tpu.memref_slice %arg4[%add3A_218, %dma_start3A_221] : memref<4096x8192xf32, #tpu.memory_space<hbm>> -> memref<2x8192xf32, #tpu.memory_space<hbm>>
    tpu.enqueue_dma source(%arg7 : memref<2x8192xf32, #tpu.memory_space<vmem>>) target(%dma_start3A_222 : memref<2x8192xf32, #tpu.memory_space<hbm>>) target_semaphore(%arg14 : memref<!tpu.dma_semaphore, #tpu.memory_space<semaphore_mem>>)
    %add3A_223 = arith.constant 122 : i32
    %add3A_224 = arith.addi %mul3A_2, %add3A_223 : i32
    %dma_wait3A_225 = arith.constant 1 : i32
    %dma_wait3A_226 = arith.constant 0 : i32
    %dma_wait3A_227 = tpu.memref_slice %arg4[%add3A_224, %dma_wait3A_226] : memref<4096x8192xf32, #tpu.memory_space<hbm>> -> memref<2x8192xf32, #tpu.memory_space<hbm>>
    %dma_wait3A_228 = arith.constant 0 : i32
    %dma_wait3A_229 = arith.constant 0 : i32
    %dma_wait3A_230 = tpu.memref_slice %arg10[%arg1, %dma_wait3A_225, %dma_wait3A_228, %dma_wait3A_229] : memref<16x2x2x8192xf32, #tpu.memory_space<vmem_shared>> -> memref<1x1x2x8192xf32, #tpu.memory_space<vmem_shared>>
    %dma_wait3A_231 = tpu.memref_squeeze %dma_wait3A_230 : memref<1x1x2x8192xf32, #tpu.memory_space<vmem_shared>> -> memref<2x8192xf32, #tpu.memory_space<vmem_shared>>
    tpu.wait_dma2 semaphore(%arg18 : memref<!tpu.dma_semaphore, #tpu.memory_space<semaphore_mem>>) src(%dma_wait3A_231 : memref<2x8192xf32, #tpu.memory_space<vmem_shared>>) dst(%dma_wait3A_227 : memref<2x8192xf32, #tpu.memory_space<hbm>>)
    %dma_wait3A_232 = arith.constant 0 : i32
    %dma_wait3A_233 = arith.constant 126 : i32
    %dma_wait3A_234 = tpu.memref_slice %arg5[%dma_wait3A_232, %dma_wait3A_233] : memref<1x128xi32, #tpu.memory_space<vmem>> -> memref<1x2xi32, #tpu.memory_space<vmem>>
    %dma_wait3A_235 = tpu.memref_squeeze %dma_wait3A_234 : memref<1x2xi32, #tpu.memory_space<vmem>> -> memref<2xi32, #tpu.memory_space<vmem>>
    %dma_wait3A_236 = arith.constant 0 : i32
    %dma_wait3A_237 = arith.constant 0 : i32
    %dma_wait3A_238 = tpu.memref_slice %arg3[%dma_wait3A_236, %dma_wait3A_237] : memref<8192x8192xf32, #tpu.memory_space<hbm>> -> memref<8192x8192xf32, #tpu.memory_space<hbm>>
    tpu.wait_indirect_dma semaphore(%arg16 : memref<!tpu.dma_semaphore, #tpu.memory_space<semaphore_mem>>) src(%dma_wait3A_238 : memref<8192x8192xf32, #tpu.memory_space<hbm>>) dst(%arg9 : memref<2x8192xf32, #tpu.memory_space<vmem>>)
    %run_scoped3A_239 = arith.constant 1 : i32
    "tpu.region"() ({
      %run_scoped3A_273 = tpu.sem_alloc : memref<!tpu.dma_semaphore, #tpu.memory_space<semaphore_mem>>
      %dma_start3A_274 = arith.constant 0 : i32
      %dma_start3A_275 = arith.constant 0 : i32
      %dma_start3A_276 = tpu.memref_slice %arg10[%arg1, %run_scoped3A_239, %dma_start3A_274, %dma_start3A_275] : memref<16x2x2x8192xf32, #tpu.memory_space<vmem_shared>> -> memref<1x1x2x8192xf32, #tpu.memory_space<vmem_shared>>
      %dma_start3A_277 = tpu.memref_squeeze %dma_start3A_276 : memref<1x1x2x8192xf32, #tpu.memory_space<vmem_shared>> -> memref<2x8192xf32, #tpu.memory_space<vmem_shared>>
      %dma_start3A_278 = arith.constant 0 : i32
      %dma_start3A_279 = arith.constant 0 : i32
      %dma_start3A_280 = tpu.memref_slice %arg10[%arg1, %run_scoped3A_239, %dma_start3A_278, %dma_start3A_279] : memref<16x2x2x8192xf32, #tpu.memory_space<vmem_shared>> -> memref<1x1x2x8192xf32, #tpu.memory_space<vmem_shared>>
      %dma_start3A_281 = tpu.memref_squeeze %dma_start3A_280 : memref<1x1x2x8192xf32, #tpu.memory_space<vmem_shared>> -> memref<2x8192xf32, #tpu.memory_space<vmem_shared>>
      tpu.enqueue_dma source(%arg9 : memref<2x8192xf32, #tpu.memory_space<vmem>>) target(%dma_start3A_281 : memref<2x8192xf32, #tpu.memory_space<vmem_shared>>) target_semaphore(%run_scoped3A_273 : memref<!tpu.dma_semaphore, #tpu.memory_space<semaphore_mem>>)
      %dma_wait3A_282 = arith.constant 0 : i32
      %dma_wait3A_283 = arith.constant 0 : i32
      %dma_wait3A_284 = tpu.memref_slice %arg10[%arg1, %run_scoped3A_239, %dma_wait3A_282, %dma_wait3A_283] : memref<16x2x2x8192xf32, #tpu.memory_space<vmem_shared>> -> memref<1x1x2x8192xf32, #tpu.memory_space<vmem_shared>>
      %dma_wait3A_285 = tpu.memref_squeeze %dma_wait3A_284 : memref<1x1x2x8192xf32, #tpu.memory_space<vmem_shared>> -> memref<2x8192xf32, #tpu.memory_space<vmem_shared>>
      %dma_wait3A_286 = arith.constant 0 : i32
      %dma_wait3A_287 = arith.constant 0 : i32
      %dma_wait3A_288 = tpu.memref_slice %arg10[%arg1, %run_scoped3A_239, %dma_wait3A_286, %dma_wait3A_287] : memref<16x2x2x8192xf32, #tpu.memory_space<vmem_shared>> -> memref<1x1x2x8192xf32, #tpu.memory_space<vmem_shared>>
      %dma_wait3A_289 = tpu.memref_squeeze %dma_wait3A_288 : memref<1x1x2x8192xf32, #tpu.memory_space<vmem_shared>> -> memref<2x8192xf32, #tpu.memory_space<vmem_shared>>
      tpu.wait_dma2 semaphore(%run_scoped3A_273 : memref<!tpu.dma_semaphore, #tpu.memory_space<semaphore_mem>>) src(%arg9 : memref<2x8192xf32, #tpu.memory_space<vmem>>) dst(%dma_wait3A_289 : memref<2x8192xf32, #tpu.memory_space<vmem_shared>>)
      tpu.yield
    }) : () -> ()
    %add3A_240 = arith.constant 126 : i32
    %add3A_241 = arith.addi %mul3A_2, %add3A_240 : i32
    %dma_start3A_242 = arith.constant 1 : i32
    %dma_start3A_243 = arith.constant 0 : i32
    %dma_start3A_244 = tpu.memref_slice %arg4[%add3A_241, %dma_start3A_243] : memref<4096x8192xf32, #tpu.memory_space<hbm>> -> memref<2x8192xf32, #tpu.memory_space<hbm>>
    %dma_start3A_245 = arith.constant 0 : i32
    %dma_start3A_246 = arith.constant 0 : i32
    %dma_start3A_247 = tpu.memref_slice %arg10[%arg1, %dma_start3A_242, %dma_start3A_245, %dma_start3A_246] : memref<16x2x2x8192xf32, #tpu.memory_space<vmem_shared>> -> memref<1x1x2x8192xf32, #tpu.memory_space<vmem_shared>>
    %dma_start3A_248 = tpu.memref_squeeze %dma_start3A_247 : memref<1x1x2x8192xf32, #tpu.memory_space<vmem_shared>> -> memref<2x8192xf32, #tpu.memory_space<vmem_shared>>
    tpu.enqueue_dma source(%dma_start3A_248 : memref<2x8192xf32, #tpu.memory_space<vmem_shared>>) target(%dma_start3A_244 : memref<2x8192xf32, #tpu.memory_space<hbm>>) target_semaphore(%arg18 : memref<!tpu.dma_semaphore, #tpu.memory_space<semaphore_mem>>)
    %add3A_249 = arith.constant 62 : i32
    %add3A_250 = arith.addi %mul3A_2, %add3A_249 : i32
    %dma_wait3A_251 = arith.constant 0 : i32
    %dma_wait3A_252 = tpu.memref_slice %arg4[%add3A_250, %dma_wait3A_251] : memref<4096x8192xf32, #tpu.memory_space<hbm>> -> memref<2x8192xf32, #tpu.memory_space<hbm>>
    %dma_wait3A_253 = arith.constant 0 : i32
    %dma_wait3A_254 = tpu.memref_slice %arg4[%add3A_250, %dma_wait3A_253] : memref<4096x8192xf32, #tpu.memory_space<hbm>> -> memref<2x8192xf32, #tpu.memory_space<hbm>>
    tpu.wait_dma2 semaphore(%arg14 : memref<!tpu.dma_semaphore, #tpu.memory_space<semaphore_mem>>) src(%arg7 : memref<2x8192xf32, #tpu.memory_space<vmem>>) dst(%dma_wait3A_254 : memref<2x8192xf32, #tpu.memory_space<hbm>>)
    %add3A_255 = arith.constant 124 : i32
    %add3A_256 = arith.addi %mul3A_2, %add3A_255 : i32
    %dma_wait3A_257 = arith.constant 0 : i32
    %dma_wait3A_258 = arith.constant 0 : i32
    %dma_wait3A_259 = tpu.memref_slice %arg4[%add3A_256, %dma_wait3A_258] : memref<4096x8192xf32, #tpu.memory_space<hbm>> -> memref<2x8192xf32, #tpu.memory_space<hbm>>
    %dma_wait3A_260 = arith.constant 0 : i32
    %dma_wait3A_261 = arith.constant 0 : i32
    %dma_wait3A_262 = tpu.memref_slice %arg10[%arg1, %dma_wait3A_257, %dma_wait3A_260, %dma_wait3A_261] : memref<16x2x2x8192xf32, #tpu.memory_space<vmem_shared>> -> memref<1x1x2x8192xf32, #tpu.memory_space<vmem_shared>>
    %dma_wait3A_263 = tpu.memref_squeeze %dma_wait3A_262 : memref<1x1x2x8192xf32, #tpu.memory_space<vmem_shared>> -> memref<2x8192xf32, #tpu.memory_space<vmem_shared>>
    tpu.wait_dma2 semaphore(%arg17 : memref<!tpu.dma_semaphore, #tpu.memory_space<semaphore_mem>>) src(%dma_wait3A_263 : memref<2x8192xf32, #tpu.memory_space<vmem_shared>>) dst(%dma_wait3A_259 : memref<2x8192xf32, #tpu.memory_space<hbm>>)
    %add3A_264 = arith.constant 126 : i32
    %add3A_265 = arith.addi %mul3A_2, %add3A_264 : i32
    %dma_wait3A_266 = arith.constant 1 : i32
    %dma_wait3A_267 = arith.constant 0 : i32
    %dma_wait3A_268 = tpu.memref_slice %arg4[%add3A_265, %dma_wait3A_267] : memref<4096x8192xf32, #tpu.memory_space<hbm>> -> memref<2x8192xf32, #tpu.memory_space<hbm>>
    %dma_wait3A_269 = arith.constant 0 : i32
    %dma_wait3A_270 = arith.constant 0 : i32
    %dma_wait3A_271 = tpu.memref_slice %arg10[%arg1, %dma_wait3A_266, %dma_wait3A_269, %dma_wait3A_270] : memref<16x2x2x8192xf32, #tpu.memory_space<vmem_shared>> -> memref<1x1x2x8192xf32, #tpu.memory_space<vmem_shared>>
    %dma_wait3A_272 = tpu.memref_squeeze %dma_wait3A_271 : memref<1x1x2x8192xf32, #tpu.memory_space<vmem_shared>> -> memref<2x8192xf32, #tpu.memory_space<vmem_shared>>
    tpu.wait_dma2 semaphore(%arg18 : memref<!tpu.dma_semaphore, #tpu.memory_space<semaphore_mem>>) src(%dma_wait3A_272 : memref<2x8192xf32, #tpu.memory_space<vmem_shared>>) dst(%dma_wait3A_268 : memref<2x8192xf32, #tpu.memory_space<hbm>>)
    return
  }
}

</mosaic_0001>

<sc_bundles>
// kernel: kernel.3.cloned.1.call-start
scs
__scs_entry_jumppad:
0x0: {  	(pc) =	sbr.rel $0x88, $3  }
0x1: {  	(tag) =	ssettag $0x0;
	lr =	simm.s32 $0x1  }
0x2: {  	[smem:$0x3F9F] =	sst lr;
	_ =	strace $0xD0000000  }
0x3: {  	_ = 	snop  }
0x4: {  	_ = 	snop  }
0x5: {  	_ = 	snop  }
0x6: {  	_ = 	snop  }
0x7: {  	_ = 	snop  }
__scs_overlays_trampoline_lowered:
0x8: {  	[smem:$0x3FAE] =	sst s0  }
0x9: {  	[smem:$0x3FAF] =	sst s1  }
0xa: {  	[smem:$0x3FB0] =	sst s2  }
0xb: {  	[smem:$0x3FB1] =	sst s3  }
0xc: {  	[smem:$0x3FB2] =	sst s4  }
0xd: {  	[smem:$0x3FB3] =	sst s5  }
0xe: {  	[smem:$0x3FB4] =	sst s6  }
0xf: {  	[smem:$0x3FB5] =	sst s7  }
0x10: {  	[smem:$0x3FB6] =	sst s8  }
0x11: {  	[smem:$0x3FB7] =	sst s9;
	s0 =	simm.s32 @!p0 $0x0  }
0x12: {  	s1 =	sld [smem:$0x3F9D];
	s0 =	simm.s32 @p0 $0x1  }
0x13: {  	[smem:$0x3FB8] =	sst s0;
	s0 =	simm.s32 @!p1 $0x0  }
0x14: {  	s2 =	sld [smem:$0x3F9C];
	s0 =	simm.s32 @p1 $0x1  }
0x15: {  	[smem:$0x3FB9] =	sst s0;
	s0 =	simm.s32 @!p2 $0x0  }
0x16: {  	s3 =	sld [smem:$0x3FDB];
	s0 =	simm.s32 @p2 $0x1  }
0x17: {  	s4 =	simm.s32 $0x1BF5;
	[smem:$0x3FBB] =	sst s0  }
0x18: {  	s0 =	sld [smem:$0x3F9E];
	_ =	swait.ge [sflag:s4], $0x0  }
0x19: {  	s7 =	sld [smem:$0x3F9F]  }
0x1a: {  	s8 =	sadd.s32 $0xFFFFE003, lr  }
0x1b: {  	s9 =	sadd.s32 $0xFFFFFEF7, lr;
	s5 =	simm.s32 $0xFFFFFFFF;
	p2 =	slt.u32 s8, $0xFFFFF086  }
0x1c: {  	p1 =	slt.u32 s9, $0xF7A;
	s5 =	simm.s32 @!p2 $0x0  }
0x1d: {  	s5 =	simm.s32 @p1 $0x1;
	p0 =	seq.s32 s7, s2  }
0x1e: {  	s7 =	smul.u32 @!p0 $0xF7A, s2;
	p2 =	seq.s32 @!p0 s5, $0x0  }
0x1f: {  	s9 =	smul.u32 $0xF7A, s1;
	s8 =	simm.s32 @!p0 $0x1BF5;
	p2 =	por !p2, p0  }
0x20: {  	[sflag:s8] =	ssyncset.s32 @!p0 $0xFFFFF086;
	s6 =	sadd.s32 @!p0 s3, s7;
	s7 =	simm.s32 @!p0 $0x108  }
0x21: {  	s3 =	sadd.s32 s3, s9;
	s6 =	sadd.s32 @!p0 $0x88, s6;
	s7 =	simm.s32 @p2 $0x1082  }
0x22: {  	[simem:s7], [sflag:s8] =	dma.local @!p0 [hbm:s6], $0xF7A  }
0x23: {  	s9 =	sor.u32 $0xD0000000, s2;
	s6 =	simm.s32 $0x108;
	_ =	swait.ge @!p0 [sflag:s8], $0x0  }
0x24: {  	s3 =	sadd.s32 $0x88, s3;
	s6 =	simm.s32 @!p1 $0x1082;
	[sflag:s4] =	ssyncset.s32 $0xFFFFF086  }
0x25: {  	[simem:s6], [sflag:s4] =	dma.local [hbm:s3], $0xF7A  }
0x26: {  	[smem:$0x3F9F] =	sst s1;
	(tag) =	ssettag s2;
	_ =	strace s9  }
0x27: {  	s1 =	sld [smem:$0x3FAF]  }
0x28: {  	s2 =	sld [smem:$0x3FB0]  }
0x29: {  	s4 =	sld [smem:$0x3FB2]  }
0x2a: {  	p0 =	seq.s32 s5, $0x0;
	s5 =	sld [smem:$0x3FB3]  }
0x2b: {  	s6 =	sld [smem:$0x3FB4]  }
0x2c: {  	s7 =	sld [smem:$0x3FB5]  }
0x2d: {  	s3 =	simm.s32 $0x108;
	s8 =	sld [smem:$0x3FB6]  }
0x2e: {  	s3 =	simm.s32 @!p0 $0x1082;
	s9 =	sld [smem:$0x3FB7]  }
0x2f: {  	lr =	sadd.s32 s0, s3;
	s0 =	sld [smem:$0x3FAE]  }
0x30: {  	s3 =	sld [smem:$0x3FB1]  }
0x31: {  	[smem:$0x3FBA] =	sst s10  }
0x32: {  	s10 =	sld [smem:$0x3FB8];
	_ =	sdelay $0x3  }
0x33: {  	p0 =	seq.s32 s10, $0x1;
	s10 =	sld [smem:$0x3FBA];
	_ =	sdelay $0x3  }
0x34: {  	[smem:$0x3FBA] =	sst s10  }
0x35: {  	s10 =	sld [smem:$0x3FB9];
	_ =	sdelay $0x3  }
0x36: {  	p1 =	seq.s32 s10, $0x1;
	s10 =	sld [smem:$0x3FBA];
	_ =	sdelay $0x3  }
0x37: {  	[smem:$0x3FBA] =	sst s10  }
0x38: {  	s10 =	sld [smem:$0x3FBB]  }
0x39: {  	_ = 	snop;
	(pc) =	sbr.ind lr, $3  }
0x3a: {  	_ = 	snop  }
0x3b: {  	_ = 	snop  }
0x3c: {  	p2 =	seq.s32 s10, $0x1;
	s10 =	sld [smem:$0x3FBA]  }
0x3d: {  	_ =	shalt  }
0x3e: {  	_ =	shalt  }
0x3f: {  	_ =	shalt  }
0x40: {  	_ =	shalt  }
0x41: {  	_ =	shalt  }
0x42: {  	_ =	shalt  }
0x43: {  	_ =	shalt  }
0x44: {  	_ =	shalt  }
0x45: {  	_ =	shalt  }
0x46: {  	_ =	shalt  }
0x47: {  	_ =	shalt  }
0x48: {  	_ =	shalt  }
0x49: {  	_ =	shalt  }
0x4a: {  	_ =	shalt  }
0x4b: {  	_ =	shalt  }
0x4c: {  	_ =	shalt  }
0x4d: {  	_ =	shalt  }
0x4e: {  	_ =	shalt  }
0x4f: {  	_ =	shalt  }
0x50: {  	_ =	shalt  }
0x51: {  	_ =	shalt  }
0x52: {  	_ =	shalt  }
0x53: {  	_ =	shalt  }
0x54: {  	_ =	shalt  }
0x55: {  	_ =	shalt  }
0x56: {  	_ =	shalt  }
0x57: {  	_ =	shalt  }
0x58: {  	_ =	shalt  }
0x59: {  	_ =	shalt  }
0x5a: {  	_ =	shalt  }
0x5b: {  	_ =	shalt  }
0x5c: {  	_ =	shalt  }
0x5d: {  	_ =	shalt  }
0x5e: {  	_ =	shalt  }
0x5f: {  	_ =	shalt  }
0x60: {  	_ =	shalt  }
0x61: {  	_ =	shalt  }
0x62: {  	_ =	shalt  }
0x63: {  	_ =	shalt  }
0x64: {  	_ =	shalt  }
0x65: {  	_ =	shalt  }
0x66: {  	_ =	shalt  }
0x67: {  	_ =	shalt  }
0x68: {  	_ =	shalt  }
0x69: {  	_ =	shalt  }
0x6a: {  	_ =	shalt  }
0x6b: {  	_ =	shalt  }
0x6c: {  	_ =	shalt  }
0x6d: {  	_ =	shalt  }
0x6e: {  	_ =	shalt  }
0x6f: {  	_ =	shalt  }
0x70: {  	_ =	shalt  }
0x71: {  	_ =	shalt  }
0x72: {  	_ =	shalt  }
0x73: {  	_ =	shalt  }
0x74: {  	_ =	shalt  }
0x75: {  	_ =	shalt  }
0x76: {  	_ =	shalt  }
0x77: {  	_ =	shalt  }
0x78: {  	_ =	shalt  }
0x79: {  	_ =	shalt  }
0x7a: {  	_ =	shalt  }
0x7b: {  	_ =	shalt  }
0x7c: {  	_ =	shalt  }
0x7d: {  	_ =	shalt  }
0x7e: {  	_ =	shalt  }
0x7f: {  	_ =	shalt  }
0x80: {  	_ =	shalt  }
0x81: {  	_ =	shalt  }
0x82: {  	_ =	shalt  }
0x83: {  	_ =	shalt  }
0x84: {  	_ =	shalt  }
0x85: {  	_ =	shalt  }
0x86: {  	_ =	shalt  }
0x87: {  	_ =	shalt  }
.Lfunc_end0:
.L_simem_size_0:
called_computation_lowered:
.L_overlay_start_0:
0x88: {  	s2 =	sld [smem:$0x3FD9]  }
0x89: {  	s3 =	sld [smem:$0x3FFE];
	_ =	sdelay $0x1  }
0x8a: {  	s1 =	srdreg.scid  }
0x8b: {  	s0 =	sand.u32 $0x1, s1  }
0x8c: {  	s18 =	sshll.u32 s0, $0xA;
	s2 =	sadd.s32 s3, s2  }
0x8d: {  	s2 =	sadd.s32 s2, s18  }
0x8e: {  	[smem:$0x3FC6] =	sst s2  }
0x8f: {  	_ = 	snop  }
0x90: {  	s2 =	sld [smem:$0x3FC9]  }
0x91: {  	s19 =	sld [smem:$0x3FC8]  }
0x92: {  	s4 =	sld [smem:$0x3FD0];
	(tm) =	ssettm $0x1  }
0x93: {  	s5 =	sld [smem:$0x3FFB];
	_ =	sdelay $0x3  }
0x94: {  	_ =	strace s5  }
0x95: {  	s5 =	sld [smem:$0x3FFC];
	_ =	sdelay $0x3  }
0x96: {  	_ =	strace s5  }
0x97: {  	s5 =	sld [smem:$0x3FFD];
	_ =	sdelay $0x3  }
0x98: {  	_ =	strace s5  }
0x99: {  	_ =	strace $0x8FFFFFFF  }
0x9a: {  	s20 =	sld [smem:$0x3FDB];
	_ =	sdelay $0x1  }
0x9b: {  	s6 =	simm.s32 $_scs_section_size  }
0x9c: {  	s7 =	simm.s32 $_size__tile_overlayer_lowered;
	s8 =	simm.s32 $_tile_overlayer_lowered  }
0x9d: {  	s23 =	simm.s32 $0x1BFF;
	s22 =	sshll.u32 s8, $0x1;
	s5 =	sadd.s32 s6, s20  }
0x9e: {  	s9 =	simm.s32 $0x0;
	s21 =	sshll.u32 s7, $0x1;
	s7 =	sadd.s32 s22, s5  }
0x9f: {  	[timem:s9], [sflag:s23] =	dma.local [hbm:s7], s21  }
0xa0: {  	_ =	swait.ge [sflag:s23], s21  }
0xa1: {  	s6 =	ssub.s32 $0x0, s21;
	[sflag:s23] =	ssyncset.done $0x0  }
0xa2: {  	[sflag:s23] =	ssyncadd.s32 s6;
	_ =	sdelay $0x1  }
0xa3: {  	s24 =	simm.s32 $0x1B8B  }
0xa4: {  	_ =	swait.ge [sflag:s24], $0x1  }
0xa5: {  	[sflag:s24] =	ssyncset.done $0x0  }
0xa6: {  	s25 =	simm.s32 $0x1B8E;
	[sflag:s24] =	ssyncadd.s32 $0xFFFFFFFF  }
0xa7: {  	s26 =	simm.s32 $execute0_lowered;
	[smem:$0x3FD2] =	sst s25  }
0xa8: {  	s6 =	sshll.u32 s26, $0x1;
	_ =	strace $0x80000046;
	[dreg:$0x1] =	wrdreg $0xFFFFFFFF  }
0xa9: {  	s28 =	simm.s32 $_size_execute0_lowered;
	s5 =	sadd.s32 s5, s6;
	[dreg:$0x0] =	wrdreg $0x0  }
0xaa: {  	s6 =	sshll.u32 s28, $0x1;
	[dreg:$0x2] =	wrdreg s5  }
0xab: {  	[dreg:$0x3] =	wrdreg s6  }
0xac: {  	[dreg:$0x4] =	wrdreg $0xC0  }
0xad: {  	_ =	task [dreg:s9], $0x5FFFF  }
0xae: {  	[dreg:$0x1] =	wrdreg $0xFFFFFFFF  }
0xaf: {  	[dreg:$0x0] =	wrdreg $0x60  }
0xb0: {  	[dreg:$0x2] =	wrdreg s2  }
0xb1: {  	[dreg:$0x3] =	wrdreg s19  }
0xb2: {  	[dreg:$0x4] =	wrdreg s4  }
0xb3: {  	[dreg:$0x5] =	wrdreg $0x100800  }
0xb4: {  	[dreg:$0x6] =	wrdreg $0x9  }
0xb5: {  	_ =	task.clear_ibuf [dreg:s9], $0x7FFFF;
	_ =	strace $0x90000046  }
0xb6: {  	s29 =	simm.s32 $0x9;
	_ =	strace $0x80000048  }
0xb7: {  	_ =	swait.ge [sflag:s29], $0x1  }
0xb8: {  	[sflag:s29] =	ssyncadd.s32 $0xFFFFFFFF  }
0xb9: {  	_ =	strace $0x90000048  }
0xba: {  	_ =	sfence  }
0xbb: {  	s30 =	sld [smem:$0x0];
	_ =	sdelay $0x2  }
0xbc: {  	s31 =	sshll.u32 s1, $0xD;
	s1 =	sshrl.u32 s1, $0x2  }
0xbd: {  	s3 =	sand.u32 $0x4000, s31;
	s1 =	sadd.s32 s1, s30  }
0xbe: {  	s0 =	sor.u32 s3, s0;
	s1 =	sshll.u32 s1, $0x11  }
0xbf: {  	s0 =	sor.u32 s1, s0  }
0xc0: {  	s0 =	sadd.s32 $0x8F2B, s0  }
0xc1: {  	[sflag:s0] =	ssyncadd.remote.s32 $0x1  }
0xc2: {  	_ =	sfence.sel $0xFFFF  }
0xc3: {  	[dreg:$0x0] =	wrdreg $0xFFFFFFFF;
	(pc) =	sbr.abs _section_cstart, $3  }
0xc4: {  	[dreg:$0x1] =	wrdreg $0xFFFFFFFF  }
0xc5: {  	_ =	task.clear_ibuf [dreg:s9], $0x2FFFF;
	_ =	strace $0x9FFFFFFF  }
0xc6: {  	(tm) =	ssettm $0x7FFFFFFF  }
0xc7: {  	_ =	shalt  }
tec
execute0_lowered:
.L_overlay_start_1:
0x0: {  	(tag) =	ssettag $0x1  }
0x1: {  	s0 =	srdreg.scid;
	s6 =	rddreg [dreg:$0x0]  }
0x2: {  	s16 =	stileid.u32;
	s3 =	rddreg [dreg:$0x2]  }
0x3: {  	s4 =	simm.s32 $0x1;
	s14 =	rddreg [dreg:$0x3];
	s28 =	simm.s32 $0x80  }
0x4: {  	s29 =	simm.s32 $0x2880;
	s30 =	simm.s32 $0x3080;
	s31 =	simm.s32 $0x3880  }
0x5: {  	s0 =	sand.u32 $0x1, s0;
	s1 =	sshll.u32 s16, $0x1;
	s17 =	sshll.u32 s16, $0xF  }
0x6: {  	s23 =	sshll.u32 s16, $0x12;
	s2 =	sor.u32 s0, s1;
	p1 =	seq.s32 s0, $0x1  }
0x7: {  	s1 =	rddreg [dreg:$0x1];
	s8 =	sshll.u32 s0, $0xA;
	p0 =	seq.s32 s2, $0x0  }
0x8: {  	s9 =	ssub.s32 $0x2, s0;
	s0 =	sshll.u32 s0, $0x11;
	p0 =	por !p0, !p1  }
0x9: {  	s26 =	sshrl.u32 s9, $0x1;
	s10 =	sadd.s32 $0x1000, s1;
	p0 =	por !p0, !p0  }
0xa: {  	s11 =	sadd.s32 $0x1400, s1;
	s15 =	ssub.s32 s9, s26;
	s4 =	simm.s32 @!p0 $0x0  }
0xb: {  	s0 =	sor.u32 s0, s23;
	s26 =	smax.u32 s15, $0x1;
	s5 =	ssub.s32 s16, s4  }
0xc: {  	s4 =	simm.s32 $0x0;
	s7 =	sshll.u32 s5, $0x8;
	s5 =	sshll.u32 s5, $0x7  }
0xd: {  	[smem:$0x7FF] =	sst s4;
	s7 =	sand.u32 $0xFFFFF800, s7;
	s5 =	sand.u32 $0x380, s5  }
0xe: {  	_ =	strace $0x80000047;
	[dreg:$0xf] =	wrdreg s0;
	s7 =	sor.u32 s8, s7  }
0xf: {  	s2 =	sshll.u32 s2, $0x11;
	[dreg:$0x11] =	wrdreg s26;
	s5 =	sor.u32 s5, s7  }
0x10: {  	s7 =	sshrl.u32 s5, $0x3;
	s5 =	sadd.s32 s3, s2;
	s2 =	sadd.s32 s17, s14  }
0x11: {  	s12 =	sadd.s32 $0x1800, s1;
	s13 =	sadd.s32 $0x1C00, s1;
	[dreg:$0x7] =	wrdreg s2  }
0x12: {  	s23 =	simm.s32 $0x9880;
	s6 =	sadd.s32 s6, s7;
	[dreg:$0x6] =	wrdreg s5  }
0x13: {  	s9 =	sadd.s32 $0xC00, s1;
	s18 =	sadd.s32 $0x10000, s5;
	[dreg:$0x5] =	wrdreg s6  }
0x14: {  	s15 =	simm.s32 $0x9080;
	s19 =	sadd.s32 $0x20, s5;
	[dreg:$0x8] =	wrdreg s18  }
0x15: {  	s26 =	simm.s32 $0x9;
	s2 =	sadd.s32 $0x4000, s2;
	[dreg:$0x9] =	wrdreg s19  }
0x16: {  	s0 =	simm.s32 $0x2;
	s20 =	sadd.s32 $0x10020, s5;
	[dreg:$0xa] =	wrdreg s2  }
0x17: {  	s8 =	sadd.s32 $0x800, s1;
	s21 =	sadd.s32 $0xE040, s5;
	[dreg:$0xb] =	wrdreg s20  }
0x18: {  	s17 =	simm.s32 $0x880;
	s22 =	sadd.s32 $0x1E040, s5;
	[dreg:$0xc] =	wrdreg s21  }
0x19: {  	s7 =	sadd.s32 $0x400, s1;
	s24 =	sadd.s32 $0xE060, s5;
	[dreg:$0xd] =	wrdreg s22  }
0x1a: {  	s25 =	sadd.s32 $0x1E060, s5;
	s5 =	simm.s32 $0x0;
	[dreg:$0xe] =	wrdreg s24  }
0x1b: {  	v0 =	vlaneseq.u32;
	[dreg:$0x10] =	wrdreg s25;
	s6 =	simm.s32 $0x1080;
	s18 =	simm.s32 $0x1880  }
0x1c: {  	v1 =	vshrl.u32 v0, $0x1;
	s19 =	simm.s32 $0x2080;
	s2 =	simm.s32 $0x8880;
	s25 =	simm.s32 $0xA080  }
0x1d: {  	vm0 =	vmmov $0xffff;
	v0 =	vand.u32 $0x1, v0;
	v1 =	vmul.u32 $0x8, v1;
	s21 =	simm.s32 $0x4;
	s22 =	simm.s32 $0x7;
	s24 =	simm.s32 $0x8  }
.LBB2_1:
0x1e: {  	[dreg:$0x12] =	wrdreg s5  }
0x1f: {  	s14 =	rddreg [dreg:$0x5]  }
0x20: {  	[tilespmem:s4], [sflag:$0x9] =	stream.linear.gather [hbm4b:s14+s4], $0x80, $0x38;
	[tilespmem:$0x18080] =	vst v63  }
0x21: {  	_ =	swait.ge [sflag:s26], $0x80  }
0x22: {  	[sflag:s26] =	ssyncset.done $0x0  }
0x23: {  	[sflag:s26] =	ssyncadd.s32 $0xFFFFFF80  }
0x24: {  	v2 =	vld.msk [tilespmem:$0x0], $0x3;
	_ =	sdelay $0x4  }
0x25: {  	v3 =	vshll.u32 v2, $0x6  }
0x26: {  	v2 =	vand.u32 $0x7, v2;
	v3 =	vand.u32 $0xFFFFFE00, v3  }
0x27: {  	v2 =	vor.u32 v2, v3  }
0x28: {  	v2 =	vperm.xlane v2, v0;
	_ =	sdelay $0x1  }
0x29: {  	v2 =	vadd.s32 v1, v2;
	_ =	sdelay $0x4  }
0x2a: {  	[tilespmem:s28], [sflag:$0x1] =	stream.indirect_vreg.gather [hbm4b:s1+s4], $0x80, v2, vm0, $0xb8;
	[tilespmem:$0x18080] =	vst v63  }
0x2b: {  	_ = 	snop  }
0x2c: {  	[tilespmem:s17], [sflag:$0x1] =	stream.indirect_vreg.gather [hbm4b:s7+s4], $0x80, v2, vm0, $0xb8;
	[tilespmem:$0x18080] =	vst v63  }
0x2d: {  	_ = 	snop  }
0x2e: {  	[tilespmem:s6], [sflag:$0x1] =	stream.indirect_vreg.gather [hbm4b:s8+s4], $0x80, v2, vm0, $0xb8;
	[tilespmem:$0x18080] =	vst v63  }
0x2f: {  	_ = 	snop  }
0x30: {  	[tilespmem:s18], [sflag:$0x1] =	stream.indirect_vreg.gather [hbm4b:s9+s4], $0x80, v2, vm0, $0xb8;
	[tilespmem:$0x18080] =	vst v63  }
0x31: {  	_ = 	snop  }
0x32: {  	[tilespmem:s19], [sflag:$0x1] =	stream.indirect_vreg.gather [hbm4b:s10+s4], $0x80, v2, vm0, $0xb8;
	[tilespmem:$0x18080] =	vst v63  }
0x33: {  	_ = 	snop  }
0x34: {  	[tilespmem:s29], [sflag:$0x1] =	stream.indirect_vreg.gather [hbm4b:s11+s4], $0x80, v2, vm0, $0xb8;
	[tilespmem:$0x18080] =	vst v63  }
0x35: {  	_ = 	snop  }
0x36: {  	[tilespmem:s30], [sflag:$0x1] =	stream.indirect_vreg.gather [hbm4b:s12+s4], $0x80, v2, vm0, $0xb8;
	[tilespmem:$0x18080] =	vst v63  }
0x37: {  	_ = 	snop  }
0x38: {  	[tilespmem:s31], [sflag:$0x1] =	stream.indirect_vreg.gather [hbm4b:s13+s4], $0x80, v2, vm0, $0xb8;
	[tilespmem:$0x18080] =	vst v63  }
0x39: {  	v2 =	vld.msk [tilespmem:$0x2], $0x3;
	_ =	sdelay $0x4  }
0x3a: {  	v3 =	vshll.u32 v2, $0x6  }
0x3b: {  	v2 =	vand.u32 $0x7, v2;
	v3 =	vand.u32 $0xFFFFFE00, v3  }
0x3c: {  	v2 =	vor.u32 v2, v3  }
0x3d: {  	v2 =	vperm.xlane v2, v0;
	_ =	sdelay $0x1  }
0x3e: {  	v2 =	vadd.s32 v1, v2;
	_ =	sdelay $0x3  }
0x3f: {  	s20 =	simm.s32 $0x4080  }
0x40: {  	[tilespmem:s20], [sflag:$0x2] =	stream.indirect_vreg.gather [hbm4b:s1+s4], $0x80, v2, vm0, $0xb8;
	[tilespmem:$0x18080] =	vst v63  }
0x41: {  	s5 =	simm.s32 $0x4880  }
0x42: {  	[tilespmem:s5], [sflag:$0x2] =	stream.indirect_vreg.gather [hbm4b:s7+s4], $0x80, v2, vm0, $0xb8;
	[tilespmem:$0x18080] =	vst v63  }
0x43: {  	s16 =	simm.s32 $0x5080  }
0x44: {  	[tilespmem:s16], [sflag:$0x2] =	stream.indirect_vreg.gather [hbm4b:s8+s4], $0x80, v2, vm0, $0xb8;
	[tilespmem:$0x18080] =	vst v63  }
0x45: {  	s20 =	simm.s32 $0x5880  }
0x46: {  	[tilespmem:s20], [sflag:$0x2] =	stream.indirect_vreg.gather [hbm4b:s9+s4], $0x80, v2, vm0, $0xb8;
	[tilespmem:$0x18080] =	vst v63  }
0x47: {  	s5 =	simm.s32 $0x6080  }
0x48: {  	[tilespmem:s5], [sflag:$0x2] =	stream.indirect_vreg.gather [hbm4b:s10+s4], $0x80, v2, vm0, $0xb8;
	[tilespmem:$0x18080] =	vst v63  }
0x49: {  	s16 =	simm.s32 $0x6880  }
0x4a: {  	[tilespmem:s16], [sflag:$0x2] =	stream.indirect_vreg.gather [hbm4b:s11+s4], $0x80, v2, vm0, $0xb8;
	[tilespmem:$0x18080] =	vst v63  }
0x4b: {  	s20 =	simm.s32 $0x7080  }
0x4c: {  	[tilespmem:s20], [sflag:$0x2] =	stream.indirect_vreg.gather [hbm4b:s12+s4], $0x80, v2, vm0, $0xb8;
	[tilespmem:$0x18080] =	vst v63  }
0x4d: {  	s5 =	simm.s32 $0x7880  }
0x4e: {  	[tilespmem:s5], [sflag:$0x2] =	stream.indirect_vreg.gather [hbm4b:s13+s4], $0x80, v2, vm0, $0xb8;
	[tilespmem:$0x18080] =	vst v63  }
0x4f: {  	v2 =	vld.msk [tilespmem:$0x40], $0x3;
	_ =	sdelay $0x4  }
0x50: {  	v3 =	vshll.u32 v2, $0x6  }
0x51: {  	v2 =	vand.u32 $0x7, v2;
	v3 =	vand.u32 $0xFFFFFE00, v3  }
0x52: {  	v2 =	vor.u32 v2, v3  }
0x53: {  	v2 =	vperm.xlane v2, v0;
	_ =	sdelay $0x1  }
0x54: {  	v2 =	vadd.s32 v1, v2;
	_ =	sdelay $0x3  }
0x55: {  	s5 =	simm.s32 $0x8080  }
0x56: {  	[tilespmem:s5], [sflag:$0x5] =	stream.indirect_vreg.gather [hbm4b:s1+s4], $0x80, v2, vm0, $0xb8;
	[tilespmem:$0x18080] =	vst v63  }
0x57: {  	_ = 	snop  }
0x58: {  	[tilespmem:s2], [sflag:$0x5] =	stream.indirect_vreg.gather [hbm4b:s7+s4], $0x80, v2, vm0, $0xb8;
	[tilespmem:$0x18080] =	vst v63  }
0x59: {  	_ = 	snop  }
0x5a: {  	[tilespmem:s15], [sflag:$0x5] =	stream.indirect_vreg.gather [hbm4b:s8+s4], $0x80, v2, vm0, $0xb8;
	[tilespmem:$0x18080] =	vst v63  }
0x5b: {  	_ = 	snop  }
0x5c: {  	[tilespmem:s23], [sflag:$0x5] =	stream.indirect_vreg.gather [hbm4b:s9+s4], $0x80, v2, vm0, $0xb8;
	[tilespmem:$0x18080] =	vst v63  }
0x5d: {  	_ = 	snop  }
0x5e: {  	[tilespmem:s25], [sflag:$0x5] =	stream.indirect_vreg.gather [hbm4b:s10+s4], $0x80, v2, vm0, $0xb8;
	[tilespmem:$0x18080] =	vst v63  }
0x5f: {  	s14 =	simm.s32 $0xA880  }
0x60: {  	[tilespmem:s14], [sflag:$0x5] =	stream.indirect_vreg.gather [hbm4b:s11+s4], $0x80, v2, vm0, $0xb8;
	[tilespmem:$0x18080] =	vst v63  }
0x61: {  	s15 =	simm.s32 $0xB080  }
0x62: {  	[tilespmem:s15], [sflag:$0x5] =	stream.indirect_vreg.gather [hbm4b:s12+s4], $0x80, v2, vm0, $0xb8;
	[tilespmem:$0x18080] =	vst v63  }
0x63: {  	s16 =	simm.s32 $0xB880  }
0x64: {  	[tilespmem:s16], [sflag:$0x5] =	stream.indirect_vreg.gather [hbm4b:s13+s4], $0x80, v2, vm0, $0xb8;
	[tilespmem:$0x18080] =	vst v63  }
0x65: {  	v2 =	vld.msk [tilespmem:$0x42], $0x3;
	_ =	sdelay $0x4  }
0x66: {  	v3 =	vshll.u32 v2, $0x6  }
0x67: {  	v2 =	vand.u32 $0x7, v2;
	v3 =	vand.u32 $0xFFFFFE00, v3  }
0x68: {  	v2 =	vor.u32 v2, v3  }
0x69: {  	v2 =	vperm.xlane v2, v0;
	_ =	sdelay $0x1  }
0x6a: {  	v2 =	vadd.s32 v1, v2;
	_ =	sdelay $0x3  }
0x6b: {  	s20 =	simm.s32 $0xC080  }
0x6c: {  	[tilespmem:s20], [sflag:$0x6] =	stream.indirect_vreg.gather [hbm4b:s1+s4], $0x80, v2, vm0, $0xb8;
	[tilespmem:$0x18080] =	vst v63  }
0x6d: {  	s23 =	simm.s32 $0xC880  }
0x6e: {  	[tilespmem:s23], [sflag:$0x6] =	stream.indirect_vreg.gather [hbm4b:s7+s4], $0x80, v2, vm0, $0xb8;
	[tilespmem:$0x18080] =	vst v63  }
0x6f: {  	s25 =	simm.s32 $0xD080  }
0x70: {  	[tilespmem:s25], [sflag:$0x6] =	stream.indirect_vreg.gather [hbm4b:s8+s4], $0x80, v2, vm0, $0xb8;
	[tilespmem:$0x18080] =	vst v63  }
0x71: {  	s14 =	simm.s32 $0xD880  }
0x72: {  	[tilespmem:s14], [sflag:$0x6] =	stream.indirect_vreg.gather [hbm4b:s9+s4], $0x80, v2, vm0, $0xb8;
	[tilespmem:$0x18080] =	vst v63  }
0x73: {  	s15 =	simm.s32 $0xE080  }
0x74: {  	[tilespmem:s15], [sflag:$0x6] =	stream.indirect_vreg.gather [hbm4b:s10+s4], $0x80, v2, vm0, $0xb8;
	[tilespmem:$0x18080] =	vst v63  }
0x75: {  	s16 =	simm.s32 $0xE880  }
0x76: {  	[tilespmem:s16], [sflag:$0x6] =	stream.indirect_vreg.gather [hbm4b:s11+s4], $0x80, v2, vm0, $0xb8;
	[tilespmem:$0x18080] =	vst v63  }
0x77: {  	s20 =	simm.s32 $0xF080  }
0x78: {  	[tilespmem:s20], [sflag:$0x6] =	stream.indirect_vreg.gather [hbm4b:s12+s4], $0x80, v2, vm0, $0xb8;
	[tilespmem:$0x18080] =	vst v63  }
0x79: {  	s23 =	simm.s32 $0xF880;
	s25 =	simm.s32 $0x1  }
0x7a: {  	[tilespmem:s23], [sflag:$0x6] =	stream.indirect_vreg.gather [hbm4b:s13+s4], $0x80, v2, vm0, $0xb8;
	[tilespmem:$0x18080] =	vst v63  }
0x7b: {  	_ =	swait.ge [sflag:s25], $0x4000  }
0x7c: {  	s15 =	simm.s32 $0x100;
	s16 =	simm.s32 $0x400;
	[sflag:s25] =	ssyncset.done $0x0  }
0x7d: {  	s20 =	simm.s32 $0x5;
	s2 =	rddreg [dreg:$0x6];
	[sflag:s25] =	ssyncadd.s32 $0xFFFFC000  }
0x7e: {  	[hbm4b:s2+s15] =	stream.strided.scatter [tilespmem:s28], [sflag:$0x3], $0x4000, s16, s15, $0x38;
	[tilespmem:$0x18080] =	vst v63  }
0x7f: {  	_ =	swait.ge [sflag:s20], $0x4000  }
0x80: {  	[sflag:s20] =	ssyncset.done $0x0  }
0x81: {  	s2 =	stileid.u32;
	s23 =	rddreg [dreg:$0x7];
	[sflag:s20] =	ssyncadd.s32 $0xFFFFC000  }
0x82: {  	[spmem:s23] =	stream.linear.scatter [tilespmem:s5], [sflag:$0x9], $0x4000, $0x38;
	[tilespmem:$0x18080] =	vst v63  }
0x83: {  	s14 =	sshll.u32 s2, $0x6;
	_ =	swait.ge [sflag:s26], $0x4000  }
0x84: {  	s25 =	sor.u32 $0x1C07, s14;
	s20 =	simm.s32 $0x20;
	[sflag:s26] =	ssyncset.done $0x0  }
0x85: {  	s23 =	sshrl.u32 s23, $0x3;
	s15 =	rddreg [dreg:$0x8];
	[sflag:s26] =	ssyncadd.s32 $0xFFFFC000  }
0x86: {  	[hbm:s15@s28], [sflag:s25] =	dma.strided [spmem:s23@s20], $0x800, s0, $0x10   }
0x87: {  	v2 =	vld.msk [tilespmem:$0x44], $0x3;
	_ =	sdelay $0x4  }
0x88: {  	v3 =	vshll.u32 v2, $0x6  }
0x89: {  	v2 =	vand.u32 $0x7, v2;
	v3 =	vand.u32 $0xFFFFFE00, v3  }
0x8a: {  	v2 =	vor.u32 v2, v3  }
0x8b: {  	v2 =	vperm.xlane v2, v0;
	_ =	sdelay $0x1  }
0x8c: {  	v2 =	vadd.s32 v1, v2;
	_ =	sdelay $0x4  }
0x8d: {  	[tilespmem:s5], [sflag:$0x5] =	stream.indirect_vreg.gather [hbm4b:s1+s4], $0x80, v2, vm0, $0xb8;
	[tilespmem:$0x18080] =	vst v63  }
0x8e: {  	s15 =	simm.s32 $0x8880  }
0x8f: {  	[tilespmem:s15], [sflag:$0x5] =	stream.indirect_vreg.gather [hbm4b:s7+s4], $0x80, v2, vm0, $0xb8;
	[tilespmem:$0x18080] =	vst v63  }
0x90: {  	s15 =	simm.s32 $0x9080  }
0x91: {  	[tilespmem:s15], [sflag:$0x5] =	stream.indirect_vreg.gather [hbm4b:s8+s4], $0x80, v2, vm0, $0xb8;
	[tilespmem:$0x18080] =	vst v63  }
0x92: {  	s2 =	simm.s32 $0x9880  }
0x93: {  	[tilespmem:s2], [sflag:$0x5] =	stream.indirect_vreg.gather [hbm4b:s9+s4], $0x80, v2, vm0, $0xb8;
	[tilespmem:$0x18080] =	vst v63  }
0x94: {  	s16 =	simm.s32 $0xA080  }
0x95: {  	[tilespmem:s16], [sflag:$0x5] =	stream.indirect_vreg.gather [hbm4b:s10+s4], $0x80, v2, vm0, $0xb8;
	[tilespmem:$0x18080] =	vst v63  }
0x96: {  	s16 =	simm.s32 $0xA880  }
0x97: {  	[tilespmem:s16], [sflag:$0x5] =	stream.indirect_vreg.gather [hbm4b:s11+s4], $0x80, v2, vm0, $0xb8;
	[tilespmem:$0x18080] =	vst v63  }
0x98: {  	s5 =	simm.s32 $0xB080  }
0x99: {  	[tilespmem:s5], [sflag:$0x5] =	stream.indirect_vreg.gather [hbm4b:s12+s4], $0x80, v2, vm0, $0xb8;
	[tilespmem:$0x18080] =	vst v63  }
0x9a: {  	s15 =	simm.s32 $0xB880;
	s16 =	simm.s32 $0x3  }
0x9b: {  	[tilespmem:s15], [sflag:$0x5] =	stream.indirect_vreg.gather [hbm4b:s13+s4], $0x80, v2, vm0, $0xb8;
	[tilespmem:$0x18080] =	vst v63  }
0x9c: {  	_ =	swait.ge [sflag:s16], $0x4000  }
0x9d: {  	[sflag:s16] =	ssyncset.done $0x0  }
0x9e: {  	[sflag:s16] =	ssyncadd.s32 $0xFFFFC000  }
0x9f: {  	v2 =	vld.msk [tilespmem:$0x4], $0x3;
	_ =	sdelay $0x4  }
0xa0: {  	v3 =	vshll.u32 v2, $0x6  }
0xa1: {  	v2 =	vand.u32 $0x7, v2;
	v3 =	vand.u32 $0xFFFFFE00, v3  }
0xa2: {  	v2 =	vor.u32 v2, v3  }
0xa3: {  	v2 =	vperm.xlane v2, v0;
	_ =	sdelay $0x1  }
0xa4: {  	v2 =	vadd.s32 v1, v2;
	_ =	sdelay $0x4  }
0xa5: {  	[tilespmem:s28], [sflag:$0x1] =	stream.indirect_vreg.gather [hbm4b:s1+s4], $0x80, v2, vm0, $0xb8;
	[tilespmem:$0x18080] =	vst v63  }
0xa6: {  	_ = 	snop  }
0xa7: {  	[tilespmem:s17], [sflag:$0x1] =	stream.indirect_vreg.gather [hbm4b:s7+s4], $0x80, v2, vm0, $0xb8;
	[tilespmem:$0x18080] =	vst v63  }
0xa8: {  	_ = 	snop  }
0xa9: {  	[tilespmem:s6], [sflag:$0x1] =	stream.indirect_vreg.gather [hbm4b:s8+s4], $0x80, v2, vm0, $0xb8;
	[tilespmem:$0x18080] =	vst v63  }
0xaa: {  	_ = 	snop  }
0xab: {  	[tilespmem:s18], [sflag:$0x1] =	stream.indirect_vreg.gather [hbm4b:s9+s4], $0x80, v2, vm0, $0xb8;
	[tilespmem:$0x18080] =	vst v63  }
0xac: {  	_ = 	snop  }
0xad: {  	[tilespmem:s19], [sflag:$0x1] =	stream.indirect_vreg.gather [hbm4b:s10+s4], $0x80, v2, vm0, $0xb8;
	[tilespmem:$0x18080] =	vst v63  }
0xae: {  	_ = 	snop  }
0xaf: {  	[tilespmem:s29], [sflag:$0x1] =	stream.indirect_vreg.gather [hbm4b:s11+s4], $0x80, v2, vm0, $0xb8;
	[tilespmem:$0x18080] =	vst v63  }
0xb0: {  	_ = 	snop  }
0xb1: {  	[tilespmem:s30], [sflag:$0x1] =	stream.indirect_vreg.gather [hbm4b:s12+s4], $0x80, v2, vm0, $0xb8;
	[tilespmem:$0x18080] =	vst v63  }
0xb2: {  	_ = 	snop  }
0xb3: {  	[tilespmem:s31], [sflag:$0x1] =	stream.indirect_vreg.gather [hbm4b:s13+s4], $0x80, v2, vm0, $0xb8;
	[tilespmem:$0x18080] =	vst v63  }
0xb4: {  	s18 =	simm.s32 $0x4080;
	_ =	swait.ge [sflag:s0], $0x4000  }
0xb5: {  	s19 =	simm.s32 $0x100;
	s30 =	simm.s32 $0x400;
	[sflag:s0] =	ssyncset.done $0x0  }
0xb6: {  	s31 =	simm.s32 $0x6;
	s17 =	rddreg [dreg:$0x9];
	[sflag:s0] =	ssyncadd.s32 $0xFFFFC000  }
0xb7: {  	[hbm4b:s17+s19] =	stream.strided.scatter [tilespmem:s18], [sflag:$0x4], $0x4000, s30, s19, $0x38;
	[tilespmem:$0x18080] =	vst v63  }
0xb8: {  	_ =	swait.ge [sflag:s31], $0x4000  }
0xb9: {  	[sflag:s31] =	ssyncset.done $0x0  }
0xba: {  	s5 =	simm.s32 $0xC080;
	s2 =	rddreg [dreg:$0xa];
	[sflag:s31] =	ssyncadd.s32 $0xFFFFC000  }
0xbb: {  	[spmem:s2] =	stream.linear.scatter [tilespmem:s5], [sflag:$0x9], $0x4000, $0x38;
	[tilespmem:$0x18080] =	vst v63  }
0xbc: {  	_ =	swait.ge [sflag:s26], $0x4000  }
0xbd: {  	s20 =	simm.s32 $0x20;
	s29 =	sor.u32 $0x1C08, s14;
	[sflag:s26] =	ssyncset.done $0x0  }
0xbe: {  	s15 =	sshrl.u32 s2, $0x3;
	s6 =	rddreg [dreg:$0xb];
	[sflag:s26] =	ssyncadd.s32 $0xFFFFC000  }
0xbf: {  	[hbm:s6@s28], [sflag:s29] =	dma.strided [spmem:s15@s20], $0x800, s0, $0x10   }
0xc0: {  	v2 =	vld.msk [tilespmem:$0x46], $0x3;
	_ =	sdelay $0x4  }
0xc1: {  	v3 =	vshll.u32 v2, $0x6  }
0xc2: {  	v2 =	vand.u32 $0x7, v2;
	v3 =	vand.u32 $0xFFFFFE00, v3  }
0xc3: {  	v2 =	vor.u32 v2, v3  }
0xc4: {  	v2 =	vperm.xlane v2, v0;
	_ =	sdelay $0x1  }
0xc5: {  	v2 =	vadd.s32 v1, v2;
	_ =	sdelay $0x4  }
0xc6: {  	[tilespmem:s5], [sflag:$0x6] =	stream.indirect_vreg.gather [hbm4b:s1+s4], $0x80, v2, vm0, $0xb8;
	[tilespmem:$0x18080] =	vst v63  }
0xc7: {  	s16 =	simm.s32 $0xC880  }
0xc8: {  	[tilespmem:s16], [sflag:$0x6] =	stream.indirect_vreg.gather [hbm4b:s7+s4], $0x80, v2, vm0, $0xb8;
	[tilespmem:$0x18080] =	vst v63  }
0xc9: {  	s17 =	simm.s32 $0xD080  }
0xca: {  	[tilespmem:s17], [sflag:$0x6] =	stream.indirect_vreg.gather [hbm4b:s8+s4], $0x80, v2, vm0, $0xb8;
	[tilespmem:$0x18080] =	vst v63  }
0xcb: {  	s18 =	simm.s32 $0xD880  }
0xcc: {  	[tilespmem:s18], [sflag:$0x6] =	stream.indirect_vreg.gather [hbm4b:s9+s4], $0x80, v2, vm0, $0xb8;
	[tilespmem:$0x18080] =	vst v63  }
0xcd: {  	s19 =	simm.s32 $0xE080  }
0xce: {  	[tilespmem:s19], [sflag:$0x6] =	stream.indirect_vreg.gather [hbm4b:s10+s4], $0x80, v2, vm0, $0xb8;
	[tilespmem:$0x18080] =	vst v63  }
0xcf: {  	s20 =	simm.s32 $0xE880  }
0xd0: {  	[tilespmem:s20], [sflag:$0x6] =	stream.indirect_vreg.gather [hbm4b:s11+s4], $0x80, v2, vm0, $0xb8;
	[tilespmem:$0x18080] =	vst v63  }
0xd1: {  	s30 =	simm.s32 $0xF080;
	s31 =	simm.s32 $0xF880  }
0xd2: {  	[tilespmem:s30], [sflag:$0x6] =	stream.indirect_vreg.gather [hbm4b:s12+s4], $0x80, v2, vm0, $0xb8;
	[tilespmem:$0x18080] =	vst v63  }
0xd3: {  	s14 =	rddreg [dreg:$0xf];
	s17 =	simm.s32 $0x48;
	s18 =	simm.s32 $0x460  }
0xd4: {  	[tilespmem:s31], [sflag:$0x6] =	stream.indirect_vreg.gather [hbm4b:s13+s4], $0x80, v2, vm0, $0xb8;
	[tilespmem:$0x18080] =	vst v63  }
.LBB2_2:
0xd5: {  	_ =	swait.ge [sflag:s21], $0x4000  }
0xd6: {  	[sflag:s21] =	ssyncset.done $0x0  }
0xd7: {  	[sflag:s21] =	ssyncadd.s32 $0xFFFFC000  }
0xd8: {  	v2 =	vld.msk [tilespmem:s17+$0xFFFFFFBE], $0x3;
	_ =	sdelay $0x4  }
0xd9: {  	v3 =	vshll.u32 v2, $0x6  }
0xda: {  	v2 =	vand.u32 $0x7, v2;
	v3 =	vand.u32 $0xFFFFFE00, v3  }
0xdb: {  	v2 =	vor.u32 v2, v3  }
0xdc: {  	v2 =	vperm.xlane v2, v0;
	_ =	sdelay $0x1  }
0xdd: {  	v2 =	vadd.s32 v1, v2;
	_ =	sdelay $0x3  }
0xde: {  	s6 =	simm.s32 $0x4080  }
0xdf: {  	[tilespmem:s6], [sflag:$0x2] =	stream.indirect_vreg.gather [hbm4b:s1+s4], $0x80, v2, vm0, $0xb8;
	[tilespmem:$0x18080] =	vst v63  }
0xe0: {  	s19 =	simm.s32 $0x4880  }
0xe1: {  	[tilespmem:s19], [sflag:$0x2] =	stream.indirect_vreg.gather [hbm4b:s7+s4], $0x80, v2, vm0, $0xb8;
	[tilespmem:$0x18080] =	vst v63  }
0xe2: {  	s5 =	simm.s32 $0x5080  }
0xe3: {  	[tilespmem:s5], [sflag:$0x2] =	stream.indirect_vreg.gather [hbm4b:s8+s4], $0x80, v2, vm0, $0xb8;
	[tilespmem:$0x18080] =	vst v63  }
0xe4: {  	s16 =	simm.s32 $0x5880  }
0xe5: {  	[tilespmem:s16], [sflag:$0x2] =	stream.indirect_vreg.gather [hbm4b:s9+s4], $0x80, v2, vm0, $0xb8;
	[tilespmem:$0x18080] =	vst v63  }
0xe6: {  	s20 =	simm.s32 $0x6080  }
0xe7: {  	[tilespmem:s20], [sflag:$0x2] =	stream.indirect_vreg.gather [hbm4b:s10+s4], $0x80, v2, vm0, $0xb8;
	[tilespmem:$0x18080] =	vst v63  }
0xe8: {  	s21 =	simm.s32 $0x6880  }
0xe9: {  	[tilespmem:s21], [sflag:$0x2] =	stream.indirect_vreg.gather [hbm4b:s11+s4], $0x80, v2, vm0, $0xb8;
	[tilespmem:$0x18080] =	vst v63  }
0xea: {  	s31 =	simm.s32 $0x7080  }
0xeb: {  	[tilespmem:s31], [sflag:$0x2] =	stream.indirect_vreg.gather [hbm4b:s12+s4], $0x80, v2, vm0, $0xb8;
	[tilespmem:$0x18080] =	vst v63  }
0xec: {  	s2 =	simm.s32 $0x7880;
	s30 =	sadd.s32 $0xFFFFFBE0, s18  }
0xed: {  	[tilespmem:s2], [sflag:$0x2] =	stream.indirect_vreg.gather [hbm4b:s13+s4], $0x80, v2, vm0, $0xb8;
	[tilespmem:$0x18080] =	vst v63  }
0xee: {  	s30 =	sand.u32 $0x40, s30;
	s2 =	simm.s32 $0x1  }
0xef: {  	s30 =	sadd.s32 s3, s30;
	s19 =	sadd.s32 $0x1000, s14;
	_ =	swait.ge [sflag:s2], $0x4000  }
0xf0: {  	s16 =	simm.s32 $0x100;
	s31 =	sand.u32 $0xFFFE000, s19;
	[sflag:s2] =	ssyncset.done $0x0  }
0xf1: {  	s20 =	simm.s32 $0x400;
	s30 =	sadd.s32 s31, s30;
	[sflag:s2] =	ssyncadd.s32 $0xFFFFC000  }
0xf2: {  	[hbm4b:s30+s16] =	stream.strided.scatter [tilespmem:s28], [sflag:$0x3], $0x4000, s20, s16, $0x38;
	[tilespmem:$0x18080] =	vst v63  }
0xf3: {  	_ =	swait.ge [sflag:s22], $0x800  }
0xf4: {  	[sflag:s22] =	ssyncset.done $0x0  }
0xf5: {  	s5 =	simm.s32 $0x5;
	[sflag:s22] =	ssyncadd.s32 $0xFFFFF800  }
0xf6: {  	_ =	swait.ge [sflag:s5], $0x4000  }
0xf7: {  	[sflag:s5] =	ssyncset.done $0x0  }
0xf8: {  	s2 =	simm.s32 $0x8080;
	s30 =	rddreg [dreg:$0x7];
	[sflag:s5] =	ssyncadd.s32 $0xFFFFC000  }
0xf9: {  	[spmem:s30] =	stream.linear.scatter [tilespmem:s2], [sflag:$0x9], $0x4000, $0x38;
	[tilespmem:$0x18080] =	vst v63  }
0xfa: {  	s30 =	sadd.s32 $0xFFFFFFE0, s18  }
0xfb: {  	s21 =	sadd.s32 $0x11000, s14;
	_ =	swait.ge [sflag:s26], $0x4000;
	s30 =	sand.u32 $0x40, s30  }
0xfc: {  	s31 =	sand.u32 $0xFFFE000, s21;
	[sflag:s26] =	ssyncset.done $0x0;
	s30 =	sadd.s32 s3, s30  }
0xfd: {  	s21 =	simm.s32 $0x20;
	[sflag:s26] =	ssyncadd.s32 $0xFFFFC000;
	s30 =	sadd.s32 s31, s30  }
0xfe: {  	[hbm:s30@s28], [sflag:s25] =	dma.strided [spmem:s23@s21], $0x800, s0, $0x10   }
0xff: {  	v2 =	vld.msk [tilespmem:s17+$0x0], $0x3;
	_ =	sdelay $0x4  }
0x100: {  	v3 =	vshll.u32 v2, $0x6  }
0x101: {  	v2 =	vand.u32 $0x7, v2;
	v3 =	vand.u32 $0xFFFFFE00, v3  }
0x102: {  	v2 =	vor.u32 v2, v3  }
0x103: {  	v2 =	vperm.xlane v2, v0;
	_ =	sdelay $0x1  }
0x104: {  	v2 =	vadd.s32 v1, v2;
	_ =	sdelay $0x4  }
0x105: {  	[tilespmem:s2], [sflag:$0x5] =	stream.indirect_vreg.gather [hbm4b:s1+s4], $0x80, v2, vm0, $0xb8;
	[tilespmem:$0x18080] =	vst v63  }
0x106: {  	s31 =	simm.s32 $0x8880  }
0x107: {  	[tilespmem:s31], [sflag:$0x5] =	stream.indirect_vreg.gather [hbm4b:s7+s4], $0x80, v2, vm0, $0xb8;
	[tilespmem:$0x18080] =	vst v63  }
0x108: {  	s31 =	simm.s32 $0x9080  }
0x109: {  	[tilespmem:s31], [sflag:$0x5] =	stream.indirect_vreg.gather [hbm4b:s8+s4], $0x80, v2, vm0, $0xb8;
	[tilespmem:$0x18080] =	vst v63  }
0x10a: {  	s31 =	simm.s32 $0x9880  }
0x10b: {  	[tilespmem:s31], [sflag:$0x5] =	stream.indirect_vreg.gather [hbm4b:s9+s4], $0x80, v2, vm0, $0xb8;
	[tilespmem:$0x18080] =	vst v63  }
0x10c: {  	s31 =	simm.s32 $0xA080  }
0x10d: {  	[tilespmem:s31], [sflag:$0x5] =	stream.indirect_vreg.gather [hbm4b:s10+s4], $0x80, v2, vm0, $0xb8;
	[tilespmem:$0x18080] =	vst v63  }
0x10e: {  	s31 =	simm.s32 $0xA880  }
0x10f: {  	[tilespmem:s31], [sflag:$0x5] =	stream.indirect_vreg.gather [hbm4b:s11+s4], $0x80, v2, vm0, $0xb8;
	[tilespmem:$0x18080] =	vst v63  }
0x110: {  	s31 =	simm.s32 $0xB080  }
0x111: {  	[tilespmem:s31], [sflag:$0x5] =	stream.indirect_vreg.gather [hbm4b:s12+s4], $0x80, v2, vm0, $0xb8;
	[tilespmem:$0x18080] =	vst v63  }
0x112: {  	s31 =	simm.s32 $0xB880  }
0x113: {  	[tilespmem:s31], [sflag:$0x5] =	stream.indirect_vreg.gather [hbm4b:s13+s4], $0x80, v2, vm0, $0xb8;
	[tilespmem:$0x18080] =	vst v63  }
0x114: {  	s31 =	simm.s32 $0x3  }
0x115: {  	_ =	swait.ge [sflag:s31], $0x4000  }
0x116: {  	[sflag:s31] =	ssyncset.done $0x0  }
0x117: {  	[sflag:s31] =	ssyncadd.s32 $0xFFFFC000  }
0x118: {  	v2 =	vld.msk [tilespmem:s17+$0xFFFFFFC0], $0x3;
	_ =	sdelay $0x4  }
0x119: {  	v3 =	vshll.u32 v2, $0x6  }
0x11a: {  	v2 =	vand.u32 $0x7, v2;
	v3 =	vand.u32 $0xFFFFFE00, v3  }
0x11b: {  	v2 =	vor.u32 v2, v3  }
0x11c: {  	v2 =	vperm.xlane v2, v0;
	_ =	sdelay $0x1  }
0x11d: {  	v2 =	vadd.s32 v1, v2;
	_ =	sdelay $0x4  }
0x11e: {  	[tilespmem:s28], [sflag:$0x1] =	stream.indirect_vreg.gather [hbm4b:s1+s4], $0x80, v2, vm0, $0xb8;
	[tilespmem:$0x18080] =	vst v63  }
0x11f: {  	s31 =	simm.s32 $0x880  }
0x120: {  	[tilespmem:s31], [sflag:$0x1] =	stream.indirect_vreg.gather [hbm4b:s7+s4], $0x80, v2, vm0, $0xb8;
	[tilespmem:$0x18080] =	vst v63  }
0x121: {  	s31 =	simm.s32 $0x1080  }
0x122: {  	[tilespmem:s31], [sflag:$0x1] =	stream.indirect_vreg.gather [hbm4b:s8+s4], $0x80, v2, vm0, $0xb8;
	[tilespmem:$0x18080] =	vst v63  }
0x123: {  	s31 =	simm.s32 $0x1880  }
0x124: {  	[tilespmem:s31], [sflag:$0x1] =	stream.indirect_vreg.gather [hbm4b:s9+s4], $0x80, v2, vm0, $0xb8;
	[tilespmem:$0x18080] =	vst v63  }
0x125: {  	s31 =	simm.s32 $0x2080  }
0x126: {  	[tilespmem:s31], [sflag:$0x1] =	stream.indirect_vreg.gather [hbm4b:s10+s4], $0x80, v2, vm0, $0xb8;
	[tilespmem:$0x18080] =	vst v63  }
0x127: {  	s31 =	simm.s32 $0x2880  }
0x128: {  	[tilespmem:s31], [sflag:$0x1] =	stream.indirect_vreg.gather [hbm4b:s11+s4], $0x80, v2, vm0, $0xb8;
	[tilespmem:$0x18080] =	vst v63  }
0x129: {  	s31 =	simm.s32 $0x3080  }
0x12a: {  	[tilespmem:s31], [sflag:$0x1] =	stream.indirect_vreg.gather [hbm4b:s12+s4], $0x80, v2, vm0, $0xb8;
	[tilespmem:$0x18080] =	vst v63  }
0x12b: {  	s30 =	sadd.s32 $0xFFFFFC00, s18;
	s31 =	simm.s32 $0x3880  }
0x12c: {  	[tilespmem:s31], [sflag:$0x1] =	stream.indirect_vreg.gather [hbm4b:s13+s4], $0x80, v2, vm0, $0xb8;
	[tilespmem:$0x18080] =	vst v63  }
0x12d: {  	s30 =	sand.u32 $0x60, s30;
	s2 =	sadd.s32 $0x1800, s14;
	_ =	swait.ge [sflag:s0], $0x4000  }
0x12e: {  	s30 =	sadd.s32 s3, s30;
	s31 =	sand.u32 $0xFFFE000, s2;
	[sflag:s0] =	ssyncset.done $0x0  }
0x12f: {  	s30 =	sadd.s32 s31, s30;
	[sflag:s0] =	ssyncadd.s32 $0xFFFFC000  }
0x130: {  	[hbm4b:s30+s16] =	stream.strided.scatter [tilespmem:s6], [sflag:$0x4], $0x4000, s20, s16, $0x38;
	[tilespmem:$0x18080] =	vst v63  }
0x131: {  	_ =	swait.ge [sflag:s24], $0x800  }
0x132: {  	[sflag:s24] =	ssyncset.done $0x0  }
0x133: {  	s31 =	simm.s32 $0x6;
	[sflag:s24] =	ssyncadd.s32 $0xFFFFF800  }
0x134: {  	_ =	swait.ge [sflag:s31], $0x4000  }
0x135: {  	[sflag:s31] =	ssyncset.done $0x0  }
0x136: {  	s6 =	simm.s32 $0xC080;
	s30 =	rddreg [dreg:$0xa];
	[sflag:s31] =	ssyncadd.s32 $0xFFFFC000  }
0x137: {  	[spmem:s30] =	stream.linear.scatter [tilespmem:s6], [sflag:$0x9], $0x4000, $0x38;
	[tilespmem:$0x18080] =	vst v63  }
0x138: {  	s16 =	sadd.s32 $0x11800, s14;
	s30 =	sand.u32 $0x60, s18;
	_ =	swait.ge [sflag:s26], $0x4000  }
0x139: {  	s14 =	sand.u32 $0xFFFE000, s16;
	s30 =	sadd.s32 s3, s30;
	[sflag:s26] =	ssyncset.done $0x0  }
0x13a: {  	s14 =	sadd.s32 s14, s30;
	[sflag:s26] =	ssyncadd.s32 $0xFFFFC000  }
0x13b: {  	[hbm:s14@s28], [sflag:s29] =	dma.strided [spmem:s15@s21], $0x800, s0, $0x10   }
0x13c: {  	v2 =	vld.msk [tilespmem:s17+$0x2], $0x3;
	_ =	sdelay $0x4  }
0x13d: {  	v3 =	vshll.u32 v2, $0x6  }
0x13e: {  	v2 =	vand.u32 $0x7, v2;
	v3 =	vand.u32 $0xFFFFFE00, v3  }
0x13f: {  	v2 =	vor.u32 v2, v3  }
0x140: {  	v2 =	vperm.xlane v2, v0;
	_ =	sdelay $0x1  }
0x141: {  	v2 =	vadd.s32 v1, v2;
	_ =	sdelay $0x4  }
0x142: {  	[tilespmem:s6], [sflag:$0x6] =	stream.indirect_vreg.gather [hbm4b:s1+s4], $0x80, v2, vm0, $0xb8;
	[tilespmem:$0x18080] =	vst v63  }
0x143: {  	s20 =	simm.s32 $0xC880  }
0x144: {  	[tilespmem:s20], [sflag:$0x6] =	stream.indirect_vreg.gather [hbm4b:s7+s4], $0x80, v2, vm0, $0xb8;
	[tilespmem:$0x18080] =	vst v63  }
0x145: {  	s31 =	simm.s32 $0xD080  }
0x146: {  	[tilespmem:s31], [sflag:$0x6] =	stream.indirect_vreg.gather [hbm4b:s8+s4], $0x80, v2, vm0, $0xb8;
	[tilespmem:$0x18080] =	vst v63  }
0x147: {  	s6 =	simm.s32 $0xD880  }
0x148: {  	[tilespmem:s6], [sflag:$0x6] =	stream.indirect_vreg.gather [hbm4b:s9+s4], $0x80, v2, vm0, $0xb8;
	[tilespmem:$0x18080] =	vst v63  }
0x149: {  	s14 =	simm.s32 $0xE080  }
0x14a: {  	[tilespmem:s14], [sflag:$0x6] =	stream.indirect_vreg.gather [hbm4b:s10+s4], $0x80, v2, vm0, $0xb8;
	[tilespmem:$0x18080] =	vst v63  }
0x14b: {  	p0 =	sne.s32 s18, $0x7A0;
	s16 =	simm.s32 $0xE880  }
0x14c: {  	[tilespmem:s16], [sflag:$0x6] =	stream.indirect_vreg.gather [hbm4b:s11+s4], $0x80, v2, vm0, $0xb8;
	[tilespmem:$0x18080] =	vst v63  }
.Ltmp0:
0x14d: {  	s5 =	simm.s32 $0x8080;
	s18 =	sadd.s32 $0x40, s18;
	(pc) =	sbr.rel @p0 .LBB2_2-.Ltmp0, $4  }
0x14e: {  	s30 =	simm.s32 $0xC080;
	s21 =	simm.s32 $0x4;
	s20 =	simm.s32 $0xF080  }
0x14f: {  	[tilespmem:s20], [sflag:$0x6] =	stream.indirect_vreg.gather [hbm4b:s12+s4], $0x80, v2, vm0, $0xb8;
	[tilespmem:$0x18080] =	vst v63  }
0x150: {  	s17 =	sadd.s32 $0x4, s17;
	s31 =	simm.s32 $0xF880;
	s14 =	smov.u32 s19  }
0x151: {  	[tilespmem:s31], [sflag:$0x6] =	stream.indirect_vreg.gather [hbm4b:s13+s4], $0x80, v2, vm0, $0xb8;
	[tilespmem:$0x18080] =	vst v63  }
0x152: {  	_ =	swait.ge [sflag:s21], $0x4000  }
0x153: {  	[sflag:s21] =	ssyncset.done $0x0  }
0x154: {  	[sflag:s21] =	ssyncadd.s32 $0xFFFFC000  }
0x155: {  	v2 =	vld.msk [tilespmem:$0x3E], $0x3;
	_ =	sdelay $0x4  }
0x156: {  	v3 =	vshll.u32 v2, $0x6  }
0x157: {  	v2 =	vand.u32 $0x7, v2;
	v3 =	vand.u32 $0xFFFFFE00, v3  }
0x158: {  	v2 =	vor.u32 v2, v3  }
0x159: {  	v2 =	vperm.xlane v2, v0;
	_ =	sdelay $0x1  }
0x15a: {  	v2 =	vadd.s32 v1, v2;
	_ =	sdelay $0x3  }
0x15b: {  	s6 =	simm.s32 $0x4080  }
0x15c: {  	[tilespmem:s6], [sflag:$0x2] =	stream.indirect_vreg.gather [hbm4b:s1+s4], $0x80, v2, vm0, $0xb8;
	[tilespmem:$0x18080] =	vst v63  }
0x15d: {  	s14 =	simm.s32 $0x4880  }
0x15e: {  	[tilespmem:s14], [sflag:$0x2] =	stream.indirect_vreg.gather [hbm4b:s7+s4], $0x80, v2, vm0, $0xb8;
	[tilespmem:$0x18080] =	vst v63  }
0x15f: {  	s17 =	simm.s32 $0x5080  }
0x160: {  	[tilespmem:s17], [sflag:$0x2] =	stream.indirect_vreg.gather [hbm4b:s8+s4], $0x80, v2, vm0, $0xb8;
	[tilespmem:$0x18080] =	vst v63  }
0x161: {  	s18 =	simm.s32 $0x5880  }
0x162: {  	[tilespmem:s18], [sflag:$0x2] =	stream.indirect_vreg.gather [hbm4b:s9+s4], $0x80, v2, vm0, $0xb8;
	[tilespmem:$0x18080] =	vst v63  }
0x163: {  	s19 =	simm.s32 $0x6080  }
0x164: {  	[tilespmem:s19], [sflag:$0x2] =	stream.indirect_vreg.gather [hbm4b:s10+s4], $0x80, v2, vm0, $0xb8;
	[tilespmem:$0x18080] =	vst v63  }
0x165: {  	s20 =	simm.s32 $0x6880  }
0x166: {  	[tilespmem:s20], [sflag:$0x2] =	stream.indirect_vreg.gather [hbm4b:s11+s4], $0x80, v2, vm0, $0xb8;
	[tilespmem:$0x18080] =	vst v63  }
0x167: {  	s2 =	simm.s32 $0x7080  }
0x168: {  	[tilespmem:s2], [sflag:$0x2] =	stream.indirect_vreg.gather [hbm4b:s12+s4], $0x80, v2, vm0, $0xb8;
	[tilespmem:$0x18080] =	vst v63  }
0x169: {  	s16 =	simm.s32 $0x7880;
	s2 =	simm.s32 $0x1  }
0x16a: {  	[tilespmem:s16], [sflag:$0x2] =	stream.indirect_vreg.gather [hbm4b:s13+s4], $0x80, v2, vm0, $0xb8;
	[tilespmem:$0x18080] =	vst v63  }
0x16b: {  	_ =	swait.ge [sflag:s2], $0x4000  }
0x16c: {  	s16 =	simm.s32 $0x400;
	[sflag:s2] =	ssyncset.done $0x0  }
0x16d: {  	s17 =	rddreg [dreg:$0xc];
	[sflag:s2] =	ssyncadd.s32 $0xFFFFC000;
	s2 =	simm.s32 $0x100  }
0x16e: {  	[hbm4b:s17+s2] =	stream.strided.scatter [tilespmem:s28], [sflag:$0x3], $0x4000, s16, s2, $0x38;
	[tilespmem:$0x18080] =	vst v63  }
0x16f: {  	_ =	swait.ge [sflag:s22], $0x800  }
0x170: {  	[sflag:s22] =	ssyncset.done $0x0  }
0x171: {  	s18 =	simm.s32 $0x5;
	[sflag:s22] =	ssyncadd.s32 $0xFFFFF800  }
0x172: {  	_ =	swait.ge [sflag:s18], $0x4000  }
0x173: {  	[sflag:s18] =	ssyncset.done $0x0  }
0x174: {  	s19 =	rddreg [dreg:$0x7];
	[sflag:s18] =	ssyncadd.s32 $0xFFFFC000  }
0x175: {  	[spmem:s19] =	stream.linear.scatter [tilespmem:s5], [sflag:$0x9], $0x4000, $0x38;
	[tilespmem:$0x18080] =	vst v63  }
0x176: {  	_ =	swait.ge [sflag:s26], $0x4000  }
0x177: {  	[sflag:s26] =	ssyncset.done $0x0  }
0x178: {  	s17 =	simm.s32 $0x20;
	s20 =	rddreg [dreg:$0xd];
	[sflag:s26] =	ssyncadd.s32 $0xFFFFC000  }
0x179: {  	[hbm:s20@s28], [sflag:s25] =	dma.strided [spmem:s23@s17], $0x800, s0, $0x10   }
0x17a: {  	s25 =	simm.s32 $0x3  }
0x17b: {  	_ =	swait.ge [sflag:s25], $0x4000  }
0x17c: {  	[sflag:s25] =	ssyncset.done $0x0  }
0x17d: {  	[sflag:s25] =	ssyncadd.s32 $0xFFFFC000  }
0x17e: {  	_ =	swait.ge [sflag:s0], $0x4000  }
0x17f: {  	[sflag:s0] =	ssyncset.done $0x0  }
0x180: {  	s5 =	rddreg [dreg:$0xe];
	[sflag:s0] =	ssyncadd.s32 $0xFFFFC000  }
0x181: {  	[hbm4b:s5+s2] =	stream.strided.scatter [tilespmem:s6], [sflag:$0x4], $0x4000, s16, s2, $0x38;
	[tilespmem:$0x18080] =	vst v63  }
0x182: {  	_ =	swait.ge [sflag:s24], $0x800  }
0x183: {  	[sflag:s24] =	ssyncset.done $0x0  }
0x184: {  	s18 =	simm.s32 $0x6;
	[sflag:s24] =	ssyncadd.s32 $0xFFFFF800  }
0x185: {  	_ =	swait.ge [sflag:s18], $0x4000  }
0x186: {  	[sflag:s18] =	ssyncset.done $0x0  }
0x187: {  	s19 =	rddreg [dreg:$0xa];
	[sflag:s18] =	ssyncadd.s32 $0xFFFFC000  }
0x188: {  	[spmem:s19] =	stream.linear.scatter [tilespmem:s30], [sflag:$0x9], $0x4000, $0x38;
	[tilespmem:$0x18080] =	vst v63  }
0x189: {  	_ =	swait.ge [sflag:s26], $0x4000  }
0x18a: {  	[sflag:s26] =	ssyncset.done $0x0  }
0x18b: {  	s20 =	rddreg [dreg:$0x10];
	[sflag:s26] =	ssyncadd.s32 $0xFFFFC000  }
0x18c: {  	[hbm:s20@s28], [sflag:s29] =	dma.strided [spmem:s15@s17], $0x800, s0, $0x10   }
0x18d: {  	_ =	swait.ge [sflag:s21], $0x4000  }
0x18e: {  	[sflag:s21] =	ssyncset.done $0x0  }
0x18f: {  	[sflag:s21] =	ssyncadd.s32 $0xFFFFC000  }
0x190: {  	_ =	swait.ge [sflag:s22], $0x800  }
0x191: {  	[sflag:s22] =	ssyncset.done $0x0  }
0x192: {  	[sflag:s22] =	ssyncadd.s32 $0xFFFFF800  }
0x193: {  	_ =	swait.ge [sflag:s24], $0x800  }
0x194: {  	s23 =	rddreg [dreg:$0x12]  }
0x195: {  	s25 =	rddreg [dreg:$0x11];
	s5 =	sadd.s32 $0x1, s23  }
0x196: {  	p0 =	sne.s32 s5, s25  }
.Ltmp1:
0x197: {  	s31 =	simm.s32 $0x3880;
	(pc) =	sbr.rel @p0 .LBB2_1-.Ltmp1, $4  }
0x198: {  	s6 =	simm.s32 $0x1080;
	s2 =	simm.s32 $0x8880;
	s18 =	simm.s32 $0x1880  }
0x199: {  	s19 =	simm.s32 $0x2080;
	s30 =	simm.s32 $0x3080;
	s17 =	simm.s32 $0x880  }
0x19a: {  	s29 =	simm.s32 $0x2880;
	s15 =	simm.s32 $0x9080;
	[sflag:s24] =	ssyncset.done $0x0  }
0x19b: {  	[sflag:s24] =	ssyncadd.s32 $0xFFFFF800;
	s23 =	simm.s32 $0x9880;
	s25 =	simm.s32 $0xA080  }
0x19c: {  	_ =	sfence.sel $0x180000  }
0x19d: {  	[bflag:$0x0] =	sbarrier.arrive $0xFFFF  }
0x19e: {  	_ =	strace $0x90000047  }
0x19f: {  	s0 =	stileid.u32;
	[bflag:$0x2] =	sbarrier.arrive $0xFFFF  }
0x1a0: {  	p0 =	sne.s32 s0, $0x0;
	s0 =	rddreg [dreg:$0x4]  }
0x1a1: {  	s0 =	sadd.s32 @!p0 $0x100000, s0  }
0x1a2: {  	[sflag:s0] =	ssyncadd.tile.s32 @!p0 $0x1;
	_ =	shalt  }
.Lfunc_end2:
_tile_overlayer_lowered:
.L_overlay_start_2:
0x1a3: {  	(tag) =	ssettag $0x2  }
0x1a4: {  	s0 =	rddreg [dreg:$0x0];
	s2 =	stileid.u32  }
0x1a5: {  	s1 =	rddreg [dreg:$0x1];
	p0 =	sne.s32 s2, $0x0  }
0x1a6: {  	s3 =	rddreg [dreg:$0x2];
	[bflag:$0x3] =	sbarrier.arrive $0xFFFF;
	s2 =	simm.s32 @!p0 $0x1C09  }
0x1a7: {  	[timem:s3], [sflag:s2] =	dma.local @!p0 [hbm:s0], s1  }
0x1a8: {  	s0 =	simm.s32 @!p0 $0x9  }
0x1a9: {  	_ =	swait.ge @!p0 [sflag:s0], s1  }
0x1aa: {  	s1 =	ssub.s32 @!p0 $0x0, s1;
	[sflag:s0] =	ssyncset.done @!p0 $0x0  }
0x1ab: {  	[sflag:s0] =	ssyncadd.s32 @!p0 s1  }
0x1ac: {  	[bflag:$0x3] =	sbarrier.arrive $0xFFFF  }
0x1ad: {  	_ =	shalt  }

</sc_bundles>
